<compile_context>
chip_gen: v7x
topology: tpu7x:2x2x1
jax: 0.10.2.dev20260603
libtpu: 0.0.44.dev20260713+nightly
codegen_flags: <defaults>
</compile_context>

<pallas_src>
import functools
import jax
import jax.numpy as jnp
from jax import lax
from jax.experimental import pallas as pl
from jax.experimental.pallas import tpu as pltpu
from jax.experimental.pallas import tpu_sc as plsc

_NBUF = 4
_RPC = 4


@functools.partial(jax.jit, static_argnames=("b", "s"))
def _sc_gather(x1d, embedding, b, s):
    info = plsc.get_sparse_core_info()
    nc = info.num_cores
    nw = nc * info.num_subcores
    d = embedding.shape[1]
    rpw = b // nw
    n_chunks = rpw // _RPC
    cidx = _RPC * s
    ipw = rpw * s

    mesh = plsc.VectorSubcoreMesh(core_axis_name="c", subcore_axis_name="s")

    @functools.partial(
        pl.kernel,
        mesh=mesh,
        out_type=jax.ShapeDtypeStruct((b, s, d), jnp.float32),
        scratch_types=[
            pltpu.VMEM((ipw,), jnp.int32),
        ]
        + [pltpu.VMEM((cidx, d), jnp.float32)] * _NBUF
        + [pltpu.SemaphoreType.DMA] * (2 * _NBUF),
    )
    def k(x_hbm, tab_hbm, out_hbm, idx_all, *bufs):
        rows = bufs[:_NBUF]
        gsem = bufs[_NBUF : 2 * _NBUF]
        ssem = bufs[2 * _NBUF :]
        wid = lax.axis_index("s") * nc + lax.axis_index("c")
        base = wid * rpw

        pltpu.sync_copy(x_hbm.at[pl.ds(wid * ipw, ipw)], idx_all)

        def fire_gather(j, bf):
            pltpu.async_copy(
                tab_hbm.at[idx_all.at[pl.ds(j * cidx, cidx)]], rows[bf], gsem[bf]
            )

        def wait_gather(j, bf):
            pltpu.make_async_copy(
                tab_hbm.at[idx_all.at[pl.ds(j * cidx, cidx)]], rows[bf], gsem[bf]
            ).wait()

        def fire_scatters(j, bf):
            for i in range(_RPC):
                pltpu.async_copy(
                    rows[bf].at[pl.ds(i * s, s)],
                    out_hbm.at[base + j * _RPC + i],
                    ssem[bf],
                )

        def wait_scatters(j, bf):
            for i in range(_RPC):
                pltpu.make_async_copy(
                    rows[bf].at[pl.ds(i * s, s)],
                    out_hbm.at[base + j * _RPC + i],
                    ssem[bf],
                ).wait()

        for bf in range(_NBUF):
            fire_gather(bf, bf)

        def outer(i, carry):
            for bf in range(_NBUF):
                j = i * _NBUF + bf
                wait_gather(j, bf)
                fire_scatters(j, bf)
                wait_scatters(j, bf)
                fire_gather(j + _NBUF, bf)
            return carry

        lax.fori_loop(0, n_chunks // _NBUF - 1, outer, 0)

        for bf in range(_NBUF):
            j = n_chunks - _NBUF + bf
            wait_gather(j, bf)
            fire_scatters(j, bf)
        for bf in range(_NBUF):
            j = n_chunks - _NBUF + bf
            wait_scatters(j, bf)

    return k(x1d, embedding)


def kernel(X, embedding):
    b, s = X.shape
    info = plsc.get_sparse_core_info()
    nw = info.num_cores * info.num_subcores
    rpw = b // nw
    assert b == nw * rpw and rpw % (_RPC * _NBUF) == 0 and _RPC * s <= 128
    x1d = X.reshape(-1).astype(jnp.int32)
    return _sc_gather(x1d, embedding, b, s)

# --- scband reference (transcript-rebuilt; emitter-appended) ---
"""Pipeline reference for scband-embedding-20890720928140 (READ-ONLY COPY).

The authoritative reference and input builder live on the scoring server;
editing this copy changes nothing except your own understanding.
"""

import jax, jax.numpy as jnp
import numpy as np

VOCAB = 100000
EMBED = 128

def setup_inputs(seed: int = 0) -> dict:
    key = jax.random.key(seed)
    k_idx, k_emb = jax.random.split(key)
    X = jax.random.randint(k_idx, (4096, 26), 0, VOCAB, dtype=jnp.int64) if jax.config.read('jax_enable_x64') else jax.random.randint(k_idx, (4096, 26), 0, VOCAB, dtype=jnp.int32)
    embedding = jax.random.normal(k_emb, (VOCAB, EMBED), dtype=jnp.float32)
    return {"X": X, "embedding": embedding}

def reference(X, embedding):
    # Faithful translation of: return self.embedding[X]
    return jnp.take(embedding, X, axis=0)

if __name__ == "__main__":
    import jax
    _d = setup_inputs()
    print(jax.jit(kernel)(*tuple(_d.values())))

</pallas_src>

<mosaic_0001>
#map = affine_map<(d0, d1) -> (0)>
#map1 = affine_map<(d0, d1) -> (0, 0)>
#map2 = affine_map<(d0, d1) -> (0, 0, 0)>
module attributes {stable_mosaic.version = 14 : i64} {
  func.func @k(%arg0: i32, %arg1: i32, %arg2: memref<106496xi32, #tpu.memory_space<hbm>>, %arg3: memref<100000x128xf32, #tpu.memory_space<hbm>>, %arg4: memref<4096x26x128xf32, #tpu.memory_space<hbm>>, %arg5: memref<3328xi32, #tpu.memory_space<vmem>>, %arg6: memref<104x128xf32, #tpu.memory_space<vmem>>, %arg7: memref<104x128xf32, #tpu.memory_space<vmem>>, %arg8: memref<104x128xf32, #tpu.memory_space<vmem>>, %arg9: memref<104x128xf32, #tpu.memory_space<vmem>>, %arg10: memref<!tpu.dma_semaphore, #tpu.memory_space<semaphore_mem>>, %arg11: memref<!tpu.dma_semaphore, #tpu.memory_space<semaphore_mem>>, %arg12: memref<!tpu.dma_semaphore, #tpu.memory_space<semaphore_mem>>, %arg13: memref<!tpu.dma_semaphore, #tpu.memory_space<semaphore_mem>>, %arg14: memref<!tpu.dma_semaphore, #tpu.memory_space<semaphore_mem>>, %arg15: memref<!tpu.dma_semaphore, #tpu.memory_space<semaphore_mem>>, %arg16: memref<!tpu.dma_semaphore, #tpu.memory_space<semaphore_mem>>, %arg17: memref<!tpu.dma_semaphore, #tpu.memory_space<semaphore_mem>>) attributes {dimension_semantics = [#tpu.dimension_semantics<core_parallel>, #tpu.dimension_semantics<subcore_parallel>], iteration_bounds = array<i64: 2, 16>, scalar_prefetch = 0 : i64, scratch_operands = 13 : i64, tpu.core_type = #tpu.core_type<sc_vector_subcore>, window_params = [{transform_indices = #map}, {transform_indices = #map1}, {transform_indices = #map2}]} {
    %mul3A = arith.constant 2 : i32
    %mul3A_0 = arith.muli %arg1, %mul3A : i32
    %add3A = arith.addi %mul3A_0, %arg0 : i32
    %mul3A_1 = arith.constant 128 : i32
    %mul3A_2 = arith.muli %add3A, %mul3A_1 : i32
    %mul3A_3 = arith.constant 3328 : i32
    %mul3A_4 = arith.muli %add3A, %mul3A_3 : i32
    "tpu.region"() ({
      %run_scoped3A = tpu.sem_alloc : memref<!tpu.dma_semaphore, #tpu.memory_space<semaphore_mem>>
      %dma_start3A_624 = tpu.memref_slice %arg2[%mul3A_4] : memref<106496xi32, #tpu.memory_space<hbm>> -> memref<3328xi32, #tpu.memory_space<hbm>>
      %dma_start3A_625 = tpu.memref_slice %arg2[%mul3A_4] : memref<106496xi32, #tpu.memory_space<hbm>> -> memref<3328xi32, #tpu.memory_space<hbm>>
      tpu.enqueue_dma source(%dma_start3A_625 : memref<3328xi32, #tpu.memory_space<hbm>>) target(%arg5 : memref<3328xi32, #tpu.memory_space<vmem>>) target_semaphore(%run_scoped3A : memref<!tpu.dma_semaphore, #tpu.memory_space<semaphore_mem>>)
      %dma_wait3A_626 = tpu.memref_slice %arg2[%mul3A_4] : memref<106496xi32, #tpu.memory_space<hbm>> -> memref<3328xi32, #tpu.memory_space<hbm>>
      %dma_wait3A_627 = tpu.memref_slice %arg2[%mul3A_4] : memref<106496xi32, #tpu.memory_space<hbm>> -> memref<3328xi32, #tpu.memory_space<hbm>>
      tpu.wait_dma2 semaphore(%run_scoped3A : memref<!tpu.dma_semaphore, #tpu.memory_space<semaphore_mem>>) src(%dma_wait3A_627 : memref<3328xi32, #tpu.memory_space<hbm>>) dst(%arg5 : memref<3328xi32, #tpu.memory_space<vmem>>)
      tpu.yield
    }) : () -> ()
    %dma_start3A = arith.constant 0 : i32
    %dma_start3A_5 = tpu.memref_slice %arg5[%dma_start3A] : memref<3328xi32, #tpu.memory_space<vmem>> -> memref<104xi32, #tpu.memory_space<vmem>>
    %dma_start3A_6 = arith.constant 0 : i32
    %dma_start3A_7 = arith.constant 0 : i32
    %dma_start3A_8 = tpu.memref_slice %arg3[%dma_start3A_6, %dma_start3A_7] : memref<100000x128xf32, #tpu.memory_space<hbm>> -> memref<100000x128xf32, #tpu.memory_space<hbm>>
    tpu.enqueue_indirect_dma source(%dma_start3A_8 : memref<100000x128xf32, #tpu.memory_space<hbm>>) target(%arg6 : memref<104x128xf32, #tpu.memory_space<vmem>>) offsets(%dma_start3A_5 : memref<104xi32, #tpu.memory_space<vmem>>) semaphore(%arg10 : memref<!tpu.dma_semaphore, #tpu.memory_space<semaphore_mem>>)
    %dma_start3A_9 = arith.constant 104 : i32
    %dma_start3A_10 = tpu.memref_slice %arg5[%dma_start3A_9] : memref<3328xi32, #tpu.memory_space<vmem>> -> memref<104xi32, #tpu.memory_space<vmem>>
    %dma_start3A_11 = arith.constant 0 : i32
    %dma_start3A_12 = arith.constant 0 : i32
    %dma_start3A_13 = tpu.memref_slice %arg3[%dma_start3A_11, %dma_start3A_12] : memref<100000x128xf32, #tpu.memory_space<hbm>> -> memref<100000x128xf32, #tpu.memory_space<hbm>>
    tpu.enqueue_indirect_dma source(%dma_start3A_13 : memref<100000x128xf32, #tpu.memory_space<hbm>>) target(%arg7 : memref<104x128xf32, #tpu.memory_space<vmem>>) offsets(%dma_start3A_10 : memref<104xi32, #tpu.memory_space<vmem>>) semaphore(%arg11 : memref<!tpu.dma_semaphore, #tpu.memory_space<semaphore_mem>>)
    %dma_start3A_14 = arith.constant 208 : i32
    %dma_start3A_15 = tpu.memref_slice %arg5[%dma_start3A_14] : memref<3328xi32, #tpu.memory_space<vmem>> -> memref<104xi32, #tpu.memory_space<vmem>>
    %dma_start3A_16 = arith.constant 0 : i32
    %dma_start3A_17 = arith.constant 0 : i32
    %dma_start3A_18 = tpu.memref_slice %arg3[%dma_start3A_16, %dma_start3A_17] : memref<100000x128xf32, #tpu.memory_space<hbm>> -> memref<100000x128xf32, #tpu.memory_space<hbm>>
    tpu.enqueue_indirect_dma source(%dma_start3A_18 : memref<100000x128xf32, #tpu.memory_space<hbm>>) target(%arg8 : memref<104x128xf32, #tpu.memory_space<vmem>>) offsets(%dma_start3A_15 : memref<104xi32, #tpu.memory_space<vmem>>) semaphore(%arg12 : memref<!tpu.dma_semaphore, #tpu.memory_space<semaphore_mem>>)
    %dma_start3A_19 = arith.constant 312 : i32
    %dma_start3A_20 = tpu.memref_slice %arg5[%dma_start3A_19] : memref<3328xi32, #tpu.memory_space<vmem>> -> memref<104xi32, #tpu.memory_space<vmem>>
    %dma_start3A_21 = arith.constant 0 : i32
    %dma_start3A_22 = arith.constant 0 : i32
    %dma_start3A_23 = tpu.memref_slice %arg3[%dma_start3A_21, %dma_start3A_22] : memref<100000x128xf32, #tpu.memory_space<hbm>> -> memref<100000x128xf32, #tpu.memory_space<hbm>>
    tpu.enqueue_indirect_dma source(%dma_start3A_23 : memref<100000x128xf32, #tpu.memory_space<hbm>>) target(%arg9 : memref<104x128xf32, #tpu.memory_space<vmem>>) offsets(%dma_start3A_20 : memref<104xi32, #tpu.memory_space<vmem>>) semaphore(%arg13 : memref<!tpu.dma_semaphore, #tpu.memory_space<semaphore_mem>>)
    %scan3A = arith.constant 0 : i32
    %scan3A_24 = arith.constant 0 : i32
    %scan3A_25 = arith.constant 7 : i32
    %scan3A_26 = arith.addi %scan3A_24, %scan3A_25 : i32
    %scan3A_27 = arith.constant 1 : i32
    scf.for %scan3A_624 = %scan3A_24 to %scan3A_26 step %scan3A_27  : i32 {
      %mul3A_625 = arith.constant 4 : i32
      %mul3A_626 = arith.muli %scan3A_624, %mul3A_625 : i32
      %add3A_627 = arith.constant 0 : i32
      %add3A_628 = arith.addi %mul3A_626, %add3A_627 : i32
      %mul3A_629 = arith.constant 104 : i32
      %mul3A_630 = arith.muli %add3A_628, %mul3A_629 : i32
      %dma_wait3A_631 = tpu.memref_slice %arg5[%mul3A_630] : memref<3328xi32, #tpu.memory_space<vmem>> -> memref<104xi32, #tpu.memory_space<vmem>>
      %dma_wait3A_632 = arith.constant 0 : i32
      %dma_wait3A_633 = arith.constant 0 : i32
      %dma_wait3A_634 = tpu.memref_slice %arg3[%dma_wait3A_632, %dma_wait3A_633] : memref<100000x128xf32, #tpu.memory_space<hbm>> -> memref<100000x128xf32, #tpu.memory_space<hbm>>
      tpu.wait_indirect_dma semaphore(%arg10 : memref<!tpu.dma_semaphore, #tpu.memory_space<semaphore_mem>>) src(%dma_wait3A_634 : memref<100000x128xf32, #tpu.memory_space<hbm>>) dst(%arg6 : memref<104x128xf32, #tpu.memory_space<vmem>>)
      %mul3A_635 = arith.constant 4 : i32
      %mul3A_636 = arith.muli %add3A_628, %mul3A_635 : i32
      %add3A_637 = arith.addi %mul3A_2, %mul3A_636 : i32
      %add3A_638 = arith.constant 0 : i32
      %add3A_639 = arith.addi %add3A_637, %add3A_638 : i32
      %dma_start3A_640 = arith.constant 0 : i32
      %dma_start3A_641 = arith.constant 0 : i32
      %dma_start3A_642 = tpu.memref_slice %arg6[%dma_start3A_640, %dma_start3A_641] : memref<104x128xf32, #tpu.memory_space<vmem>> -> memref<26x128xf32, #tpu.memory_space<vmem>>
      %dma_start3A_643 = arith.constant 0 : i32
      %dma_start3A_644 = arith.constant 0 : i32
      %dma_start3A_645 = tpu.memref_slice %arg4[%add3A_639, %dma_start3A_643, %dma_start3A_644] : memref<4096x26x128xf32, #tpu.memory_space<hbm>> -> memref<1x26x128xf32, #tpu.memory_space<hbm>>
      %dma_start3A_646 = tpu.memref_squeeze %dma_start3A_645 : memref<1x26x128xf32, #tpu.memory_space<hbm>> -> memref<26x128xf32, #tpu.memory_space<hbm>>
      %dma_start3A_647 = arith.constant 0 : i32
      %dma_start3A_648 = arith.constant 0 : i32
      %dma_start3A_649 = tpu.memref_slice %arg4[%add3A_639, %dma_start3A_647, %dma_start3A_648] : memref<4096x26x128xf32, #tpu.memory_space<hbm>> -> memref<1x26x128xf32, #tpu.memory_space<hbm>>
      %dma_start3A_650 = tpu.memref_squeeze %dma_start3A_649 : memref<1x26x128xf32, #tpu.memory_space<hbm>> -> memref<26x128xf32, #tpu.memory_space<hbm>>
      %dma_start3A_651 = arith.constant 0 : i32
      %dma_start3A_652 = arith.constant 0 : i32
      %dma_start3A_653 = tpu.memref_slice %arg6[%dma_start3A_651, %dma_start3A_652] : memref<104x128xf32, #tpu.memory_space<vmem>> -> memref<26x128xf32, #tpu.memory_space<vmem>>
      tpu.enqueue_dma source(%dma_start3A_653 : memref<26x128xf32, #tpu.memory_space<vmem>>) target(%dma_start3A_650 : memref<26x128xf32, #tpu.memory_space<hbm>>) target_semaphore(%arg14 : memref<!tpu.dma_semaphore, #tpu.memory_space<semaphore_mem>>)
      %mul3A_654 = arith.constant 4 : i32
      %mul3A_655 = arith.muli %add3A_628, %mul3A_654 : i32
      %add3A_656 = arith.addi %mul3A_2, %mul3A_655 : i32
      %add3A_657 = arith.constant 1 : i32
      %add3A_658 = arith.addi %add3A_656, %add3A_657 : i32
      %dma_start3A_659 = arith.constant 26 : i32
      %dma_start3A_660 = arith.constant 0 : i32
      %dma_start3A_661 = tpu.memref_slice %arg6[%dma_start3A_659, %dma_start3A_660] : memref<104x128xf32, #tpu.memory_space<vmem>> -> memref<26x128xf32, #tpu.memory_space<vmem>>
      %dma_start3A_662 = arith.constant 0 : i32
      %dma_start3A_663 = arith.constant 0 : i32
      %dma_start3A_664 = tpu.memref_slice %arg4[%add3A_658, %dma_start3A_662, %dma_start3A_663] : memref<4096x26x128xf32, #tpu.memory_space<hbm>> -> memref<1x26x128xf32, #tpu.memory_space<hbm>>
      %dma_start3A_665 = tpu.memref_squeeze %dma_start3A_664 : memref<1x26x128xf32, #tpu.memory_space<hbm>> -> memref<26x128xf32, #tpu.memory_space<hbm>>
      %dma_start3A_666 = arith.constant 0 : i32
      %dma_start3A_667 = arith.constant 0 : i32
      %dma_start3A_668 = tpu.memref_slice %arg4[%add3A_658, %dma_start3A_666, %dma_start3A_667] : memref<4096x26x128xf32, #tpu.memory_space<hbm>> -> memref<1x26x128xf32, #tpu.memory_space<hbm>>
      %dma_start3A_669 = tpu.memref_squeeze %dma_start3A_668 : memref<1x26x128xf32, #tpu.memory_space<hbm>> -> memref<26x128xf32, #tpu.memory_space<hbm>>
      %dma_start3A_670 = arith.constant 26 : i32
      %dma_start3A_671 = arith.constant 0 : i32
      %dma_start3A_672 = tpu.memref_slice %arg6[%dma_start3A_670, %dma_start3A_671] : memref<104x128xf32, #tpu.memory_space<vmem>> -> memref<26x128xf32, #tpu.memory_space<vmem>>
      tpu.enqueue_dma source(%dma_start3A_672 : memref<26x128xf32, #tpu.memory_space<vmem>>) target(%dma_start3A_669 : memref<26x128xf32, #tpu.memory_space<hbm>>) target_semaphore(%arg14 : memref<!tpu.dma_semaphore, #tpu.memory_space<semaphore_mem>>)
      %mul3A_673 = arith.constant 4 : i32
      %mul3A_674 = arith.muli %add3A_628, %mul3A_673 : i32
      %add3A_675 = arith.addi %mul3A_2, %mul3A_674 : i32
      %add3A_676 = arith.constant 2 : i32
      %add3A_677 = arith.addi %add3A_675, %add3A_676 : i32
      %dma_start3A_678 = arith.constant 52 : i32
      %dma_start3A_679 = arith.constant 0 : i32
      %dma_start3A_680 = tpu.memref_slice %arg6[%dma_start3A_678, %dma_start3A_679] : memref<104x128xf32, #tpu.memory_space<vmem>> -> memref<26x128xf32, #tpu.memory_space<vmem>>
      %dma_start3A_681 = arith.constant 0 : i32
      %dma_start3A_682 = arith.constant 0 : i32
      %dma_start3A_683 = tpu.memref_slice %arg4[%add3A_677, %dma_start3A_681, %dma_start3A_682] : memref<4096x26x128xf32, #tpu.memory_space<hbm>> -> memref<1x26x128xf32, #tpu.memory_space<hbm>>
      %dma_start3A_684 = tpu.memref_squeeze %dma_start3A_683 : memref<1x26x128xf32, #tpu.memory_space<hbm>> -> memref<26x128xf32, #tpu.memory_space<hbm>>
      %dma_start3A_685 = arith.constant 0 : i32
      %dma_start3A_686 = arith.constant 0 : i32
      %dma_start3A_687 = tpu.memref_slice %arg4[%add3A_677, %dma_start3A_685, %dma_start3A_686] : memref<4096x26x128xf32, #tpu.memory_space<hbm>> -> memref<1x26x128xf32, #tpu.memory_space<hbm>>
      %dma_start3A_688 = tpu.memref_squeeze %dma_start3A_687 : memref<1x26x128xf32, #tpu.memory_space<hbm>> -> memref<26x128xf32, #tpu.memory_space<hbm>>
      %dma_start3A_689 = arith.constant 52 : i32
      %dma_start3A_690 = arith.constant 0 : i32
      %dma_start3A_691 = tpu.memref_slice %arg6[%dma_start3A_689, %dma_start3A_690] : memref<104x128xf32, #tpu.memory_space<vmem>> -> memref<26x128xf32, #tpu.memory_space<vmem>>
      tpu.enqueue_dma source(%dma_start3A_691 : memref<26x128xf32, #tpu.memory_space<vmem>>) target(%dma_start3A_688 : memref<26x128xf32, #tpu.memory_space<hbm>>) target_semaphore(%arg14 : memref<!tpu.dma_semaphore, #tpu.memory_space<semaphore_mem>>)
      %mul3A_692 = arith.constant 4 : i32
      %mul3A_693 = arith.muli %add3A_628, %mul3A_692 : i32
      %add3A_694 = arith.addi %mul3A_2, %mul3A_693 : i32
      %add3A_695 = arith.constant 3 : i32
      %add3A_696 = arith.addi %add3A_694, %add3A_695 : i32
      %dma_start3A_697 = arith.constant 78 : i32
      %dma_start3A_698 = arith.constant 0 : i32
      %dma_start3A_699 = tpu.memref_slice %arg6[%dma_start3A_697, %dma_start3A_698] : memref<104x128xf32, #tpu.memory_space<vmem>> -> memref<26x128xf32, #tpu.memory_space<vmem>>
      %dma_start3A_700 = arith.constant 0 : i32
      %dma_start3A_701 = arith.constant 0 : i32
      %dma_start3A_702 = tpu.memref_slice %arg4[%add3A_696, %dma_start3A_700, %dma_start3A_701] : memref<4096x26x128xf32, #tpu.memory_space<hbm>> -> memref<1x26x128xf32, #tpu.memory_space<hbm>>
      %dma_start3A_703 = tpu.memref_squeeze %dma_start3A_702 : memref<1x26x128xf32, #tpu.memory_space<hbm>> -> memref<26x128xf32, #tpu.memory_space<hbm>>
      %dma_start3A_704 = arith.constant 0 : i32
      %dma_start3A_705 = arith.constant 0 : i32
      %dma_start3A_706 = tpu.memref_slice %arg4[%add3A_696, %dma_start3A_704, %dma_start3A_705] : memref<4096x26x128xf32, #tpu.memory_space<hbm>> -> memref<1x26x128xf32, #tpu.memory_space<hbm>>
      %dma_start3A_707 = tpu.memref_squeeze %dma_start3A_706 : memref<1x26x128xf32, #tpu.memory_space<hbm>> -> memref<26x128xf32, #tpu.memory_space<hbm>>
      %dma_start3A_708 = arith.constant 78 : i32
      %dma_start3A_709 = arith.constant 0 : i32
      %dma_start3A_710 = tpu.memref_slice %arg6[%dma_start3A_708, %dma_start3A_709] : memref<104x128xf32, #tpu.memory_space<vmem>> -> memref<26x128xf32, #tpu.memory_space<vmem>>
      tpu.enqueue_dma source(%dma_start3A_710 : memref<26x128xf32, #tpu.memory_space<vmem>>) target(%dma_start3A_707 : memref<26x128xf32, #tpu.memory_space<hbm>>) target_semaphore(%arg14 : memref<!tpu.dma_semaphore, #tpu.memory_space<semaphore_mem>>)
      %mul3A_711 = arith.constant 4 : i32
      %mul3A_712 = arith.muli %add3A_628, %mul3A_711 : i32
      %add3A_713 = arith.addi %mul3A_2, %mul3A_712 : i32
      %add3A_714 = arith.constant 0 : i32
      %add3A_715 = arith.addi %add3A_713, %add3A_714 : i32
      %dma_wait3A_716 = arith.constant 0 : i32
      %dma_wait3A_717 = arith.constant 0 : i32
      %dma_wait3A_718 = tpu.memref_slice %arg6[%dma_wait3A_716, %dma_wait3A_717] : memref<104x128xf32, #tpu.memory_space<vmem>> -> memref<26x128xf32, #tpu.memory_space<vmem>>
      %dma_wait3A_719 = arith.constant 0 : i32
      %dma_wait3A_720 = arith.constant 0 : i32
      %dma_wait3A_721 = tpu.memref_slice %arg4[%add3A_715, %dma_wait3A_719, %dma_wait3A_720] : memref<4096x26x128xf32, #tpu.memory_space<hbm>> -> memref<1x26x128xf32, #tpu.memory_space<hbm>>
      %dma_wait3A_722 = tpu.memref_squeeze %dma_wait3A_721 : memref<1x26x128xf32, #tpu.memory_space<hbm>> -> memref<26x128xf32, #tpu.memory_space<hbm>>
      %dma_wait3A_723 = arith.constant 0 : i32
      %dma_wait3A_724 = arith.constant 0 : i32
      %dma_wait3A_725 = tpu.memref_slice %arg4[%add3A_715, %dma_wait3A_723, %dma_wait3A_724] : memref<4096x26x128xf32, #tpu.memory_space<hbm>> -> memref<1x26x128xf32, #tpu.memory_space<hbm>>
      %dma_wait3A_726 = tpu.memref_squeeze %dma_wait3A_725 : memref<1x26x128xf32, #tpu.memory_space<hbm>> -> memref<26x128xf32, #tpu.memory_space<hbm>>
      %dma_wait3A_727 = arith.constant 0 : i32
      %dma_wait3A_728 = arith.constant 0 : i32
      %dma_wait3A_729 = tpu.memref_slice %arg6[%dma_wait3A_727, %dma_wait3A_728] : memref<104x128xf32, #tpu.memory_space<vmem>> -> memref<26x128xf32, #tpu.memory_space<vmem>>
      tpu.wait_dma2 semaphore(%arg14 : memref<!tpu.dma_semaphore, #tpu.memory_space<semaphore_mem>>) src(%dma_wait3A_729 : memref<26x128xf32, #tpu.memory_space<vmem>>) dst(%dma_wait3A_726 : memref<26x128xf32, #tpu.memory_space<hbm>>)
      %mul3A_730 = arith.constant 4 : i32
      %mul3A_731 = arith.muli %add3A_628, %mul3A_730 : i32
      %add3A_732 = arith.addi %mul3A_2, %mul3A_731 : i32
      %add3A_733 = arith.constant 1 : i32
      %add3A_734 = arith.addi %add3A_732, %add3A_733 : i32
      %dma_wait3A_735 = arith.constant 26 : i32
      %dma_wait3A_736 = arith.constant 0 : i32
      %dma_wait3A_737 = tpu.memref_slice %arg6[%dma_wait3A_735, %dma_wait3A_736] : memref<104x128xf32, #tpu.memory_space<vmem>> -> memref<26x128xf32, #tpu.memory_space<vmem>>
      %dma_wait3A_738 = arith.constant 0 : i32
      %dma_wait3A_739 = arith.constant 0 : i32
      %dma_wait3A_740 = tpu.memref_slice %arg4[%add3A_734, %dma_wait3A_738, %dma_wait3A_739] : memref<4096x26x128xf32, #tpu.memory_space<hbm>> -> memref<1x26x128xf32, #tpu.memory_space<hbm>>
      %dma_wait3A_741 = tpu.memref_squeeze %dma_wait3A_740 : memref<1x26x128xf32, #tpu.memory_space<hbm>> -> memref<26x128xf32, #tpu.memory_space<hbm>>
      %dma_wait3A_742 = arith.constant 0 : i32
      %dma_wait3A_743 = arith.constant 0 : i32
      %dma_wait3A_744 = tpu.memref_slice %arg4[%add3A_734, %dma_wait3A_742, %dma_wait3A_743] : memref<4096x26x128xf32, #tpu.memory_space<hbm>> -> memref<1x26x128xf32, #tpu.memory_space<hbm>>
      %dma_wait3A_745 = tpu.memref_squeeze %dma_wait3A_744 : memref<1x26x128xf32, #tpu.memory_space<hbm>> -> memref<26x128xf32, #tpu.memory_space<hbm>>
      %dma_wait3A_746 = arith.constant 26 : i32
      %dma_wait3A_747 = arith.constant 0 : i32
      %dma_wait3A_748 = tpu.memref_slice %arg6[%dma_wait3A_746, %dma_wait3A_747] : memref<104x128xf32, #tpu.memory_space<vmem>> -> memref<26x128xf32, #tpu.memory_space<vmem>>
      tpu.wait_dma2 semaphore(%arg14 : memref<!tpu.dma_semaphore, #tpu.memory_space<semaphore_mem>>) src(%dma_wait3A_748 : memref<26x128xf32, #tpu.memory_space<vmem>>) dst(%dma_wait3A_745 : memref<26x128xf32, #tpu.memory_space<hbm>>)
      %mul3A_749 = arith.constant 4 : i32
      %mul3A_750 = arith.muli %add3A_628, %mul3A_749 : i32
      %add3A_751 = arith.addi %mul3A_2, %mul3A_750 : i32
      %add3A_752 = arith.constant 2 : i32
      %add3A_753 = arith.addi %add3A_751, %add3A_752 : i32
      %dma_wait3A_754 = arith.constant 52 : i32
      %dma_wait3A_755 = arith.constant 0 : i32
      %dma_wait3A_756 = tpu.memref_slice %arg6[%dma_wait3A_754, %dma_wait3A_755] : memref<104x128xf32, #tpu.memory_space<vmem>> -> memref<26x128xf32, #tpu.memory_space<vmem>>
      %dma_wait3A_757 = arith.constant 0 : i32
      %dma_wait3A_758 = arith.constant 0 : i32
      %dma_wait3A_759 = tpu.memref_slice %arg4[%add3A_753, %dma_wait3A_757, %dma_wait3A_758] : memref<4096x26x128xf32, #tpu.memory_space<hbm>> -> memref<1x26x128xf32, #tpu.memory_space<hbm>>
      %dma_wait3A_760 = tpu.memref_squeeze %dma_wait3A_759 : memref<1x26x128xf32, #tpu.memory_space<hbm>> -> memref<26x128xf32, #tpu.memory_space<hbm>>
      %dma_wait3A_761 = arith.constant 0 : i32
      %dma_wait3A_762 = arith.constant 0 : i32
      %dma_wait3A_763 = tpu.memref_slice %arg4[%add3A_753, %dma_wait3A_761, %dma_wait3A_762] : memref<4096x26x128xf32, #tpu.memory_space<hbm>> -> memref<1x26x128xf32, #tpu.memory_space<hbm>>
      %dma_wait3A_764 = tpu.memref_squeeze %dma_wait3A_763 : memref<1x26x128xf32, #tpu.memory_space<hbm>> -> memref<26x128xf32, #tpu.memory_space<hbm>>
      %dma_wait3A_765 = arith.constant 52 : i32
      %dma_wait3A_766 = arith.constant 0 : i32
      %dma_wait3A_767 = tpu.memref_slice %arg6[%dma_wait3A_765, %dma_wait3A_766] : memref<104x128xf32, #tpu.memory_space<vmem>> -> memref<26x128xf32, #tpu.memory_space<vmem>>
      tpu.wait_dma2 semaphore(%arg14 : memref<!tpu.dma_semaphore, #tpu.memory_space<semaphore_mem>>) src(%dma_wait3A_767 : memref<26x128xf32, #tpu.memory_space<vmem>>) dst(%dma_wait3A_764 : memref<26x128xf32, #tpu.memory_space<hbm>>)
      %mul3A_768 = arith.constant 4 : i32
      %mul3A_769 = arith.muli %add3A_628, %mul3A_768 : i32
      %add3A_770 = arith.addi %mul3A_2, %mul3A_769 : i32
      %add3A_771 = arith.constant 3 : i32
      %add3A_772 = arith.addi %add3A_770, %add3A_771 : i32
      %dma_wait3A_773 = arith.constant 78 : i32
      %dma_wait3A_774 = arith.constant 0 : i32
      %dma_wait3A_775 = tpu.memref_slice %arg6[%dma_wait3A_773, %dma_wait3A_774] : memref<104x128xf32, #tpu.memory_space<vmem>> -> memref<26x128xf32, #tpu.memory_space<vmem>>
      %dma_wait3A_776 = arith.constant 0 : i32
      %dma_wait3A_777 = arith.constant 0 : i32
      %dma_wait3A_778 = tpu.memref_slice %arg4[%add3A_772, %dma_wait3A_776, %dma_wait3A_777] : memref<4096x26x128xf32, #tpu.memory_space<hbm>> -> memref<1x26x128xf32, #tpu.memory_space<hbm>>
      %dma_wait3A_779 = tpu.memref_squeeze %dma_wait3A_778 : memref<1x26x128xf32, #tpu.memory_space<hbm>> -> memref<26x128xf32, #tpu.memory_space<hbm>>
      %dma_wait3A_780 = arith.constant 0 : i32
      %dma_wait3A_781 = arith.constant 0 : i32
      %dma_wait3A_782 = tpu.memref_slice %arg4[%add3A_772, %dma_wait3A_780, %dma_wait3A_781] : memref<4096x26x128xf32, #tpu.memory_space<hbm>> -> memref<1x26x128xf32, #tpu.memory_space<hbm>>
      %dma_wait3A_783 = tpu.memref_squeeze %dma_wait3A_782 : memref<1x26x128xf32, #tpu.memory_space<hbm>> -> memref<26x128xf32, #tpu.memory_space<hbm>>
      %dma_wait3A_784 = arith.constant 78 : i32
      %dma_wait3A_785 = arith.constant 0 : i32
      %dma_wait3A_786 = tpu.memref_slice %arg6[%dma_wait3A_784, %dma_wait3A_785] : memref<104x128xf32, #tpu.memory_space<vmem>> -> memref<26x128xf32, #tpu.memory_space<vmem>>
      tpu.wait_dma2 semaphore(%arg14 : memref<!tpu.dma_semaphore, #tpu.memory_space<semaphore_mem>>) src(%dma_wait3A_786 : memref<26x128xf32, #tpu.memory_space<vmem>>) dst(%dma_wait3A_783 : memref<26x128xf32, #tpu.memory_space<hbm>>)
      %add3A_787 = arith.constant 4 : i32
      %add3A_788 = arith.addi %add3A_628, %add3A_787 : i32
      %mul3A_789 = arith.constant 104 : i32
      %mul3A_790 = arith.muli %add3A_788, %mul3A_789 : i32
      %dma_start3A_791 = tpu.memref_slice %arg5[%mul3A_790] : memref<3328xi32, #tpu.memory_space<vmem>> -> memref<104xi32, #tpu.memory_space<vmem>>
      %dma_start3A_792 = arith.constant 0 : i32
      %dma_start3A_793 = arith.constant 0 : i32
      %dma_start3A_794 = tpu.memref_slice %arg3[%dma_start3A_792, %dma_start3A_793] : memref<100000x128xf32, #tpu.memory_space<hbm>> -> memref<100000x128xf32, #tpu.memory_space<hbm>>
      tpu.enqueue_indirect_dma source(%dma_start3A_794 : memref<100000x128xf32, #tpu.memory_space<hbm>>) target(%arg6 : memref<104x128xf32, #tpu.memory_space<vmem>>) offsets(%dma_start3A_791 : memref<104xi32, #tpu.memory_space<vmem>>) semaphore(%arg10 : memref<!tpu.dma_semaphore, #tpu.memory_space<semaphore_mem>>)
      %mul3A_795 = arith.constant 4 : i32
      %mul3A_796 = arith.muli %scan3A_624, %mul3A_795 : i32
      %add3A_797 = arith.constant 1 : i32
      %add3A_798 = arith.addi %mul3A_796, %add3A_797 : i32
      %mul3A_799 = arith.constant 104 : i32
      %mul3A_800 = arith.muli %add3A_798, %mul3A_799 : i32
      %dma_wait3A_801 = tpu.memref_slice %arg5[%mul3A_800] : memref<3328xi32, #tpu.memory_space<vmem>> -> memref<104xi32, #tpu.memory_space<vmem>>
      %dma_wait3A_802 = arith.constant 0 : i32
      %dma_wait3A_803 = arith.constant 0 : i32
      %dma_wait3A_804 = tpu.memref_slice %arg3[%dma_wait3A_802, %dma_wait3A_803] : memref<100000x128xf32, #tpu.memory_space<hbm>> -> memref<100000x128xf32, #tpu.memory_space<hbm>>
      tpu.wait_indirect_dma semaphore(%arg11 : memref<!tpu.dma_semaphore, #tpu.memory_space<semaphore_mem>>) src(%dma_wait3A_804 : memref<100000x128xf32, #tpu.memory_space<hbm>>) dst(%arg7 : memref<104x128xf32, #tpu.memory_space<vmem>>)
      %mul3A_805 = arith.constant 4 : i32
      %mul3A_806 = arith.muli %add3A_798, %mul3A_805 : i32
      %add3A_807 = arith.addi %mul3A_2, %mul3A_806 : i32
      %add3A_808 = arith.constant 0 : i32
      %add3A_809 = arith.addi %add3A_807, %add3A_808 : i32
      %dma_start3A_810 = arith.constant 0 : i32
      %dma_start3A_811 = arith.constant 0 : i32
      %dma_start3A_812 = tpu.memref_slice %arg7[%dma_start3A_810, %dma_start3A_811] : memref<104x128xf32, #tpu.memory_space<vmem>> -> memref<26x128xf32, #tpu.memory_space<vmem>>
      %dma_start3A_813 = arith.constant 0 : i32
      %dma_start3A_814 = arith.constant 0 : i32
      %dma_start3A_815 = tpu.memref_slice %arg4[%add3A_809, %dma_start3A_813, %dma_start3A_814] : memref<4096x26x128xf32, #tpu.memory_space<hbm>> -> memref<1x26x128xf32, #tpu.memory_space<hbm>>
      %dma_start3A_816 = tpu.memref_squeeze %dma_start3A_815 : memref<1x26x128xf32, #tpu.memory_space<hbm>> -> memref<26x128xf32, #tpu.memory_space<hbm>>
      %dma_start3A_817 = arith.constant 0 : i32
      %dma_start3A_818 = arith.constant 0 : i32
      %dma_start3A_819 = tpu.memref_slice %arg4[%add3A_809, %dma_start3A_817, %dma_start3A_818] : memref<4096x26x128xf32, #tpu.memory_space<hbm>> -> memref<1x26x128xf32, #tpu.memory_space<hbm>>
      %dma_start3A_820 = tpu.memref_squeeze %dma_start3A_819 : memref<1x26x128xf32, #tpu.memory_space<hbm>> -> memref<26x128xf32, #tpu.memory_space<hbm>>
      %dma_start3A_821 = arith.constant 0 : i32
      %dma_start3A_822 = arith.constant 0 : i32
      %dma_start3A_823 = tpu.memref_slice %arg7[%dma_start3A_821, %dma_start3A_822] : memref<104x128xf32, #tpu.memory_space<vmem>> -> memref<26x128xf32, #tpu.memory_space<vmem>>
      tpu.enqueue_dma source(%dma_start3A_823 : memref<26x128xf32, #tpu.memory_space<vmem>>) target(%dma_start3A_820 : memref<26x128xf32, #tpu.memory_space<hbm>>) target_semaphore(%arg15 : memref<!tpu.dma_semaphore, #tpu.memory_space<semaphore_mem>>)
      %mul3A_824 = arith.constant 4 : i32
      %mul3A_825 = arith.muli %add3A_798, %mul3A_824 : i32
      %add3A_826 = arith.addi %mul3A_2, %mul3A_825 : i32
      %add3A_827 = arith.constant 1 : i32
      %add3A_828 = arith.addi %add3A_826, %add3A_827 : i32
      %dma_start3A_829 = arith.constant 26 : i32
      %dma_start3A_830 = arith.constant 0 : i32
      %dma_start3A_831 = tpu.memref_slice %arg7[%dma_start3A_829, %dma_start3A_830] : memref<104x128xf32, #tpu.memory_space<vmem>> -> memref<26x128xf32, #tpu.memory_space<vmem>>
      %dma_start3A_832 = arith.constant 0 : i32
      %dma_start3A_833 = arith.constant 0 : i32
      %dma_start3A_834 = tpu.memref_slice %arg4[%add3A_828, %dma_start3A_832, %dma_start3A_833] : memref<4096x26x128xf32, #tpu.memory_space<hbm>> -> memref<1x26x128xf32, #tpu.memory_space<hbm>>
      %dma_start3A_835 = tpu.memref_squeeze %dma_start3A_834 : memref<1x26x128xf32, #tpu.memory_space<hbm>> -> memref<26x128xf32, #tpu.memory_space<hbm>>
      %dma_start3A_836 = arith.constant 0 : i32
      %dma_start3A_837 = arith.constant 0 : i32
      %dma_start3A_838 = tpu.memref_slice %arg4[%add3A_828, %dma_start3A_836, %dma_start3A_837] : memref<4096x26x128xf32, #tpu.memory_space<hbm>> -> memref<1x26x128xf32, #tpu.memory_space<hbm>>
      %dma_start3A_839 = tpu.memref_squeeze %dma_start3A_838 : memref<1x26x128xf32, #tpu.memory_space<hbm>> -> memref<26x128xf32, #tpu.memory_space<hbm>>
      %dma_start3A_840 = arith.constant 26 : i32
      %dma_start3A_841 = arith.constant 0 : i32
      %dma_start3A_842 = tpu.memref_slice %arg7[%dma_start3A_840, %dma_start3A_841] : memref<104x128xf32, #tpu.memory_space<vmem>> -> memref<26x128xf32, #tpu.memory_space<vmem>>
      tpu.enqueue_dma source(%dma_start3A_842 : memref<26x128xf32, #tpu.memory_space<vmem>>) target(%dma_start3A_839 : memref<26x128xf32, #tpu.memory_space<hbm>>) target_semaphore(%arg15 : memref<!tpu.dma_semaphore, #tpu.memory_space<semaphore_mem>>)
      %mul3A_843 = arith.constant 4 : i32
      %mul3A_844 = arith.muli %add3A_798, %mul3A_843 : i32
      %add3A_845 = arith.addi %mul3A_2, %mul3A_844 : i32
      %add3A_846 = arith.constant 2 : i32
      %add3A_847 = arith.addi %add3A_845, %add3A_846 : i32
      %dma_start3A_848 = arith.constant 52 : i32
      %dma_start3A_849 = arith.constant 0 : i32
      %dma_start3A_850 = tpu.memref_slice %arg7[%dma_start3A_848, %dma_start3A_849] : memref<104x128xf32, #tpu.memory_space<vmem>> -> memref<26x128xf32, #tpu.memory_space<vmem>>
      %dma_start3A_851 = arith.constant 0 : i32
      %dma_start3A_852 = arith.constant 0 : i32
      %dma_start3A_853 = tpu.memref_slice %arg4[%add3A_847, %dma_start3A_851, %dma_start3A_852] : memref<4096x26x128xf32, #tpu.memory_space<hbm>> -> memref<1x26x128xf32, #tpu.memory_space<hbm>>
      %dma_start3A_854 = tpu.memref_squeeze %dma_start3A_853 : memref<1x26x128xf32, #tpu.memory_space<hbm>> -> memref<26x128xf32, #tpu.memory_space<hbm>>
      %dma_start3A_855 = arith.constant 0 : i32
      %dma_start3A_856 = arith.constant 0 : i32
      %dma_start3A_857 = tpu.memref_slice %arg4[%add3A_847, %dma_start3A_855, %dma_start3A_856] : memref<4096x26x128xf32, #tpu.memory_space<hbm>> -> memref<1x26x128xf32, #tpu.memory_space<hbm>>
      %dma_start3A_858 = tpu.memref_squeeze %dma_start3A_857 : memref<1x26x128xf32, #tpu.memory_space<hbm>> -> memref<26x128xf32, #tpu.memory_space<hbm>>
      %dma_start3A_859 = arith.constant 52 : i32
      %dma_start3A_860 = arith.constant 0 : i32
      %dma_start3A_861 = tpu.memref_slice %arg7[%dma_start3A_859, %dma_start3A_860] : memref<104x128xf32, #tpu.memory_space<vmem>> -> memref<26x128xf32, #tpu.memory_space<vmem>>
      tpu.enqueue_dma source(%dma_start3A_861 : memref<26x128xf32, #tpu.memory_space<vmem>>) target(%dma_start3A_858 : memref<26x128xf32, #tpu.memory_space<hbm>>) target_semaphore(%arg15 : memref<!tpu.dma_semaphore, #tpu.memory_space<semaphore_mem>>)
      %mul3A_862 = arith.constant 4 : i32
      %mul3A_863 = arith.muli %add3A_798, %mul3A_862 : i32
      %add3A_864 = arith.addi %mul3A_2, %mul3A_863 : i32
      %add3A_865 = arith.constant 3 : i32
      %add3A_866 = arith.addi %add3A_864, %add3A_865 : i32
      %dma_start3A_867 = arith.constant 78 : i32
      %dma_start3A_868 = arith.constant 0 : i32
      %dma_start3A_869 = tpu.memref_slice %arg7[%dma_start3A_867, %dma_start3A_868] : memref<104x128xf32, #tpu.memory_space<vmem>> -> memref<26x128xf32, #tpu.memory_space<vmem>>
      %dma_start3A_870 = arith.constant 0 : i32
      %dma_start3A_871 = arith.constant 0 : i32
      %dma_start3A_872 = tpu.memref_slice %arg4[%add3A_866, %dma_start3A_870, %dma_start3A_871] : memref<4096x26x128xf32, #tpu.memory_space<hbm>> -> memref<1x26x128xf32, #tpu.memory_space<hbm>>
      %dma_start3A_873 = tpu.memref_squeeze %dma_start3A_872 : memref<1x26x128xf32, #tpu.memory_space<hbm>> -> memref<26x128xf32, #tpu.memory_space<hbm>>
      %dma_start3A_874 = arith.constant 0 : i32
      %dma_start3A_875 = arith.constant 0 : i32
      %dma_start3A_876 = tpu.memref_slice %arg4[%add3A_866, %dma_start3A_874, %dma_start3A_875] : memref<4096x26x128xf32, #tpu.memory_space<hbm>> -> memref<1x26x128xf32, #tpu.memory_space<hbm>>
      %dma_start3A_877 = tpu.memref_squeeze %dma_start3A_876 : memref<1x26x128xf32, #tpu.memory_space<hbm>> -> memref<26x128xf32, #tpu.memory_space<hbm>>
      %dma_start3A_878 = arith.constant 78 : i32
      %dma_start3A_879 = arith.constant 0 : i32
      %dma_start3A_880 = tpu.memref_slice %arg7[%dma_start3A_878, %dma_start3A_879] : memref<104x128xf32, #tpu.memory_space<vmem>> -> memref<26x128xf32, #tpu.memory_space<vmem>>
      tpu.enqueue_dma source(%dma_start3A_880 : memref<26x128xf32, #tpu.memory_space<vmem>>) target(%dma_start3A_877 : memref<26x128xf32, #tpu.memory_space<hbm>>) target_semaphore(%arg15 : memref<!tpu.dma_semaphore, #tpu.memory_space<semaphore_mem>>)
      %mul3A_881 = arith.constant 4 : i32
      %mul3A_882 = arith.muli %add3A_798, %mul3A_881 : i32
      %add3A_883 = arith.addi %mul3A_2, %mul3A_882 : i32
      %add3A_884 = arith.constant 0 : i32
      %add3A_885 = arith.addi %add3A_883, %add3A_884 : i32
      %dma_wait3A_886 = arith.constant 0 : i32
      %dma_wait3A_887 = arith.constant 0 : i32
      %dma_wait3A_888 = tpu.memref_slice %arg7[%dma_wait3A_886, %dma_wait3A_887] : memref<104x128xf32, #tpu.memory_space<vmem>> -> memref<26x128xf32, #tpu.memory_space<vmem>>
      %dma_wait3A_889 = arith.constant 0 : i32
      %dma_wait3A_890 = arith.constant 0 : i32
      %dma_wait3A_891 = tpu.memref_slice %arg4[%add3A_885, %dma_wait3A_889, %dma_wait3A_890] : memref<4096x26x128xf32, #tpu.memory_space<hbm>> -> memref<1x26x128xf32, #tpu.memory_space<hbm>>
      %dma_wait3A_892 = tpu.memref_squeeze %dma_wait3A_891 : memref<1x26x128xf32, #tpu.memory_space<hbm>> -> memref<26x128xf32, #tpu.memory_space<hbm>>
      %dma_wait3A_893 = arith.constant 0 : i32
      %dma_wait3A_894 = arith.constant 0 : i32
      %dma_wait3A_895 = tpu.memref_slice %arg4[%add3A_885, %dma_wait3A_893, %dma_wait3A_894] : memref<4096x26x128xf32, #tpu.memory_space<hbm>> -> memref<1x26x128xf32, #tpu.memory_space<hbm>>
      %dma_wait3A_896 = tpu.memref_squeeze %dma_wait3A_895 : memref<1x26x128xf32, #tpu.memory_space<hbm>> -> memref<26x128xf32, #tpu.memory_space<hbm>>
      %dma_wait3A_897 = arith.constant 0 : i32
      %dma_wait3A_898 = arith.constant 0 : i32
      %dma_wait3A_899 = tpu.memref_slice %arg7[%dma_wait3A_897, %dma_wait3A_898] : memref<104x128xf32, #tpu.memory_space<vmem>> -> memref<26x128xf32, #tpu.memory_space<vmem>>
      tpu.wait_dma2 semaphore(%arg15 : memref<!tpu.dma_semaphore, #tpu.memory_space<semaphore_mem>>) src(%dma_wait3A_899 : memref<26x128xf32, #tpu.memory_space<vmem>>) dst(%dma_wait3A_896 : memref<26x128xf32, #tpu.memory_space<hbm>>)
      %mul3A_900 = arith.constant 4 : i32
      %mul3A_901 = arith.muli %add3A_798, %mul3A_900 : i32
      %add3A_902 = arith.addi %mul3A_2, %mul3A_901 : i32
      %add3A_903 = arith.constant 1 : i32
      %add3A_904 = arith.addi %add3A_902, %add3A_903 : i32
      %dma_wait3A_905 = arith.constant 26 : i32
      %dma_wait3A_906 = arith.constant 0 : i32
      %dma_wait3A_907 = tpu.memref_slice %arg7[%dma_wait3A_905, %dma_wait3A_906] : memref<104x128xf32, #tpu.memory_space<vmem>> -> memref<26x128xf32, #tpu.memory_space<vmem>>
      %dma_wait3A_908 = arith.constant 0 : i32
      %dma_wait3A_909 = arith.constant 0 : i32
      %dma_wait3A_910 = tpu.memref_slice %arg4[%add3A_904, %dma_wait3A_908, %dma_wait3A_909] : memref<4096x26x128xf32, #tpu.memory_space<hbm>> -> memref<1x26x128xf32, #tpu.memory_space<hbm>>
      %dma_wait3A_911 = tpu.memref_squeeze %dma_wait3A_910 : memref<1x26x128xf32, #tpu.memory_space<hbm>> -> memref<26x128xf32, #tpu.memory_space<hbm>>
      %dma_wait3A_912 = arith.constant 0 : i32
      %dma_wait3A_913 = arith.constant 0 : i32
      %dma_wait3A_914 = tpu.memref_slice %arg4[%add3A_904, %dma_wait3A_912, %dma_wait3A_913] : memref<4096x26x128xf32, #tpu.memory_space<hbm>> -> memref<1x26x128xf32, #tpu.memory_space<hbm>>
      %dma_wait3A_915 = tpu.memref_squeeze %dma_wait3A_914 : memref<1x26x128xf32, #tpu.memory_space<hbm>> -> memref<26x128xf32, #tpu.memory_space<hbm>>
      %dma_wait3A_916 = arith.constant 26 : i32
      %dma_wait3A_917 = arith.constant 0 : i32
      %dma_wait3A_918 = tpu.memref_slice %arg7[%dma_wait3A_916, %dma_wait3A_917] : memref<104x128xf32, #tpu.memory_space<vmem>> -> memref<26x128xf32, #tpu.memory_space<vmem>>
      tpu.wait_dma2 semaphore(%arg15 : memref<!tpu.dma_semaphore, #tpu.memory_space<semaphore_mem>>) src(%dma_wait3A_918 : memref<26x128xf32, #tpu.memory_space<vmem>>) dst(%dma_wait3A_915 : memref<26x128xf32, #tpu.memory_space<hbm>>)
      %mul3A_919 = arith.constant 4 : i32
      %mul3A_920 = arith.muli %add3A_798, %mul3A_919 : i32
      %add3A_921 = arith.addi %mul3A_2, %mul3A_920 : i32
      %add3A_922 = arith.constant 2 : i32
      %add3A_923 = arith.addi %add3A_921, %add3A_922 : i32
      %dma_wait3A_924 = arith.constant 52 : i32
      %dma_wait3A_925 = arith.constant 0 : i32
      %dma_wait3A_926 = tpu.memref_slice %arg7[%dma_wait3A_924, %dma_wait3A_925] : memref<104x128xf32, #tpu.memory_space<vmem>> -> memref<26x128xf32, #tpu.memory_space<vmem>>
      %dma_wait3A_927 = arith.constant 0 : i32
      %dma_wait3A_928 = arith.constant 0 : i32
      %dma_wait3A_929 = tpu.memref_slice %arg4[%add3A_923, %dma_wait3A_927, %dma_wait3A_928] : memref<4096x26x128xf32, #tpu.memory_space<hbm>> -> memref<1x26x128xf32, #tpu.memory_space<hbm>>
      %dma_wait3A_930 = tpu.memref_squeeze %dma_wait3A_929 : memref<1x26x128xf32, #tpu.memory_space<hbm>> -> memref<26x128xf32, #tpu.memory_space<hbm>>
      %dma_wait3A_931 = arith.constant 0 : i32
      %dma_wait3A_932 = arith.constant 0 : i32
      %dma_wait3A_933 = tpu.memref_slice %arg4[%add3A_923, %dma_wait3A_931, %dma_wait3A_932] : memref<4096x26x128xf32, #tpu.memory_space<hbm>> -> memref<1x26x128xf32, #tpu.memory_space<hbm>>
      %dma_wait3A_934 = tpu.memref_squeeze %dma_wait3A_933 : memref<1x26x128xf32, #tpu.memory_space<hbm>> -> memref<26x128xf32, #tpu.memory_space<hbm>>
      %dma_wait3A_935 = arith.constant 52 : i32
      %dma_wait3A_936 = arith.constant 0 : i32
      %dma_wait3A_937 = tpu.memref_slice %arg7[%dma_wait3A_935, %dma_wait3A_936] : memref<104x128xf32, #tpu.memory_space<vmem>> -> memref<26x128xf32, #tpu.memory_space<vmem>>
      tpu.wait_dma2 semaphore(%arg15 : memref<!tpu.dma_semaphore, #tpu.memory_space<semaphore_mem>>) src(%dma_wait3A_937 : memref<26x128xf32, #tpu.memory_space<vmem>>) dst(%dma_wait3A_934 : memref<26x128xf32, #tpu.memory_space<hbm>>)
      %mul3A_938 = arith.constant 4 : i32
      %mul3A_939 = arith.muli %add3A_798, %mul3A_938 : i32
      %add3A_940 = arith.addi %mul3A_2, %mul3A_939 : i32
      %add3A_941 = arith.constant 3 : i32
      %add3A_942 = arith.addi %add3A_940, %add3A_941 : i32
      %dma_wait3A_943 = arith.constant 78 : i32
      %dma_wait3A_944 = arith.constant 0 : i32
      %dma_wait3A_945 = tpu.memref_slice %arg7[%dma_wait3A_943, %dma_wait3A_944] : memref<104x128xf32, #tpu.memory_space<vmem>> -> memref<26x128xf32, #tpu.memory_space<vmem>>
      %dma_wait3A_946 = arith.constant 0 : i32
      %dma_wait3A_947 = arith.constant 0 : i32
      %dma_wait3A_948 = tpu.memref_slice %arg4[%add3A_942, %dma_wait3A_946, %dma_wait3A_947] : memref<4096x26x128xf32, #tpu.memory_space<hbm>> -> memref<1x26x128xf32, #tpu.memory_space<hbm>>
      %dma_wait3A_949 = tpu.memref_squeeze %dma_wait3A_948 : memref<1x26x128xf32, #tpu.memory_space<hbm>> -> memref<26x128xf32, #tpu.memory_space<hbm>>
      %dma_wait3A_950 = arith.constant 0 : i32
      %dma_wait3A_951 = arith.constant 0 : i32
      %dma_wait3A_952 = tpu.memref_slice %arg4[%add3A_942, %dma_wait3A_950, %dma_wait3A_951] : memref<4096x26x128xf32, #tpu.memory_space<hbm>> -> memref<1x26x128xf32, #tpu.memory_space<hbm>>
      %dma_wait3A_953 = tpu.memref_squeeze %dma_wait3A_952 : memref<1x26x128xf32, #tpu.memory_space<hbm>> -> memref<26x128xf32, #tpu.memory_space<hbm>>
      %dma_wait3A_954 = arith.constant 78 : i32
      %dma_wait3A_955 = arith.constant 0 : i32
      %dma_wait3A_956 = tpu.memref_slice %arg7[%dma_wait3A_954, %dma_wait3A_955] : memref<104x128xf32, #tpu.memory_space<vmem>> -> memref<26x128xf32, #tpu.memory_space<vmem>>
      tpu.wait_dma2 semaphore(%arg15 : memref<!tpu.dma_semaphore, #tpu.memory_space<semaphore_mem>>) src(%dma_wait3A_956 : memref<26x128xf32, #tpu.memory_space<vmem>>) dst(%dma_wait3A_953 : memref<26x128xf32, #tpu.memory_space<hbm>>)
      %add3A_957 = arith.constant 4 : i32
      %add3A_958 = arith.addi %add3A_798, %add3A_957 : i32
      %mul3A_959 = arith.constant 104 : i32
      %mul3A_960 = arith.muli %add3A_958, %mul3A_959 : i32
      %dma_start3A_961 = tpu.memref_slice %arg5[%mul3A_960] : memref<3328xi32, #tpu.memory_space<vmem>> -> memref<104xi32, #tpu.memory_space<vmem>>
      %dma_start3A_962 = arith.constant 0 : i32
      %dma_start3A_963 = arith.constant 0 : i32
      %dma_start3A_964 = tpu.memref_slice %arg3[%dma_start3A_962, %dma_start3A_963] : memref<100000x128xf32, #tpu.memory_space<hbm>> -> memref<100000x128xf32, #tpu.memory_space<hbm>>
      tpu.enqueue_indirect_dma source(%dma_start3A_964 : memref<100000x128xf32, #tpu.memory_space<hbm>>) target(%arg7 : memref<104x128xf32, #tpu.memory_space<vmem>>) offsets(%dma_start3A_961 : memref<104xi32, #tpu.memory_space<vmem>>) semaphore(%arg11 : memref<!tpu.dma_semaphore, #tpu.memory_space<semaphore_mem>>)
      %mul3A_965 = arith.constant 4 : i32
      %mul3A_966 = arith.muli %scan3A_624, %mul3A_965 : i32
      %add3A_967 = arith.constant 2 : i32
      %add3A_968 = arith.addi %mul3A_966, %add3A_967 : i32
      %mul3A_969 = arith.constant 104 : i32
      %mul3A_970 = arith.muli %add3A_968, %mul3A_969 : i32
      %dma_wait3A_971 = tpu.memref_slice %arg5[%mul3A_970] : memref<3328xi32, #tpu.memory_space<vmem>> -> memref<104xi32, #tpu.memory_space<vmem>>
      %dma_wait3A_972 = arith.constant 0 : i32
      %dma_wait3A_973 = arith.constant 0 : i32
      %dma_wait3A_974 = tpu.memref_slice %arg3[%dma_wait3A_972, %dma_wait3A_973] : memref<100000x128xf32, #tpu.memory_space<hbm>> -> memref<100000x128xf32, #tpu.memory_space<hbm>>
      tpu.wait_indirect_dma semaphore(%arg12 : memref<!tpu.dma_semaphore, #tpu.memory_space<semaphore_mem>>) src(%dma_wait3A_974 : memref<100000x128xf32, #tpu.memory_space<hbm>>) dst(%arg8 : memref<104x128xf32, #tpu.memory_space<vmem>>)
      %mul3A_975 = arith.constant 4 : i32
      %mul3A_976 = arith.muli %add3A_968, %mul3A_975 : i32
      %add3A_977 = arith.addi %mul3A_2, %mul3A_976 : i32
      %add3A_978 = arith.constant 0 : i32
      %add3A_979 = arith.addi %add3A_977, %add3A_978 : i32
      %dma_start3A_980 = arith.constant 0 : i32
      %dma_start3A_981 = arith.constant 0 : i32
      %dma_start3A_982 = tpu.memref_slice %arg8[%dma_start3A_980, %dma_start3A_981] : memref<104x128xf32, #tpu.memory_space<vmem>> -> memref<26x128xf32, #tpu.memory_space<vmem>>
      %dma_start3A_983 = arith.constant 0 : i32
      %dma_start3A_984 = arith.constant 0 : i32
      %dma_start3A_985 = tpu.memref_slice %arg4[%add3A_979, %dma_start3A_983, %dma_start3A_984] : memref<4096x26x128xf32, #tpu.memory_space<hbm>> -> memref<1x26x128xf32, #tpu.memory_space<hbm>>
      %dma_start3A_986 = tpu.memref_squeeze %dma_start3A_985 : memref<1x26x128xf32, #tpu.memory_space<hbm>> -> memref<26x128xf32, #tpu.memory_space<hbm>>
      %dma_start3A_987 = arith.constant 0 : i32
      %dma_start3A_988 = arith.constant 0 : i32
      %dma_start3A_989 = tpu.memref_slice %arg4[%add3A_979, %dma_start3A_987, %dma_start3A_988] : memref<4096x26x128xf32, #tpu.memory_space<hbm>> -> memref<1x26x128xf32, #tpu.memory_space<hbm>>
      %dma_start3A_990 = tpu.memref_squeeze %dma_start3A_989 : memref<1x26x128xf32, #tpu.memory_space<hbm>> -> memref<26x128xf32, #tpu.memory_space<hbm>>
      %dma_start3A_991 = arith.constant 0 : i32
      %dma_start3A_992 = arith.constant 0 : i32
      %dma_start3A_993 = tpu.memref_slice %arg8[%dma_start3A_991, %dma_start3A_992] : memref<104x128xf32, #tpu.memory_space<vmem>> -> memref<26x128xf32, #tpu.memory_space<vmem>>
      tpu.enqueue_dma source(%dma_start3A_993 : memref<26x128xf32, #tpu.memory_space<vmem>>) target(%dma_start3A_990 : memref<26x128xf32, #tpu.memory_space<hbm>>) target_semaphore(%arg16 : memref<!tpu.dma_semaphore, #tpu.memory_space<semaphore_mem>>)
      %mul3A_994 = arith.constant 4 : i32
      %mul3A_995 = arith.muli %add3A_968, %mul3A_994 : i32
      %add3A_996 = arith.addi %mul3A_2, %mul3A_995 : i32
      %add3A_997 = arith.constant 1 : i32
      %add3A_998 = arith.addi %add3A_996, %add3A_997 : i32
      %dma_start3A_999 = arith.constant 26 : i32
      %dma_start3A_1000 = arith.constant 0 : i32
      %dma_start3A_1001 = tpu.memref_slice %arg8[%dma_start3A_999, %dma_start3A_1000] : memref<104x128xf32, #tpu.memory_space<vmem>> -> memref<26x128xf32, #tpu.memory_space<vmem>>
      %dma_start3A_1002 = arith.constant 0 : i32
      %dma_start3A_1003 = arith.constant 0 : i32
      %dma_start3A_1004 = tpu.memref_slice %arg4[%add3A_998, %dma_start3A_1002, %dma_start3A_1003] : memref<4096x26x128xf32, #tpu.memory_space<hbm>> -> memref<1x26x128xf32, #tpu.memory_space<hbm>>
      %dma_start3A_1005 = tpu.memref_squeeze %dma_start3A_1004 : memref<1x26x128xf32, #tpu.memory_space<hbm>> -> memref<26x128xf32, #tpu.memory_space<hbm>>
      %dma_start3A_1006 = arith.constant 0 : i32
      %dma_start3A_1007 = arith.constant 0 : i32
      %dma_start3A_1008 = tpu.memref_slice %arg4[%add3A_998, %dma_start3A_1006, %dma_start3A_1007] : memref<4096x26x128xf32, #tpu.memory_space<hbm>> -> memref<1x26x128xf32, #tpu.memory_space<hbm>>
      %dma_start3A_1009 = tpu.memref_squeeze %dma_start3A_1008 : memref<1x26x128xf32, #tpu.memory_space<hbm>> -> memref<26x128xf32, #tpu.memory_space<hbm>>
      %dma_start3A_1010 = arith.constant 26 : i32
      %dma_start3A_1011 = arith.constant 0 : i32
      %dma_start3A_1012 = tpu.memref_slice %arg8[%dma_start3A_1010, %dma_start3A_1011] : memref<104x128xf32, #tpu.memory_space<vmem>> -> memref<26x128xf32, #tpu.memory_space<vmem>>
      tpu.enqueue_dma source(%dma_start3A_1012 : memref<26x128xf32, #tpu.memory_space<vmem>>) target(%dma_start3A_1009 : memref<26x128xf32, #tpu.memory_space<hbm>>) target_semaphore(%arg16 : memref<!tpu.dma_semaphore, #tpu.memory_space<semaphore_mem>>)
      %mul3A_1013 = arith.constant 4 : i32
      %mul3A_1014 = arith.muli %add3A_968, %mul3A_1013 : i32
      %add3A_1015 = arith.addi %mul3A_2, %mul3A_1014 : i32
      %add3A_1016 = arith.constant 2 : i32
      %add3A_1017 = arith.addi %add3A_1015, %add3A_1016 : i32
      %dma_start3A_1018 = arith.constant 52 : i32
      %dma_start3A_1019 = arith.constant 0 : i32
      %dma_start3A_1020 = tpu.memref_slice %arg8[%dma_start3A_1018, %dma_start3A_1019] : memref<104x128xf32, #tpu.memory_space<vmem>> -> memref<26x128xf32, #tpu.memory_space<vmem>>
      %dma_start3A_1021 = arith.constant 0 : i32
      %dma_start3A_1022 = arith.constant 0 : i32
      %dma_start3A_1023 = tpu.memref_slice %arg4[%add3A_1017, %dma_start3A_1021, %dma_start3A_1022] : memref<4096x26x128xf32, #tpu.memory_space<hbm>> -> memref<1x26x128xf32, #tpu.memory_space<hbm>>
      %dma_start3A_1024 = tpu.memref_squeeze %dma_start3A_1023 : memref<1x26x128xf32, #tpu.memory_space<hbm>> -> memref<26x128xf32, #tpu.memory_space<hbm>>
      %dma_start3A_1025 = arith.constant 0 : i32
      %dma_start3A_1026 = arith.constant 0 : i32
      %dma_start3A_1027 = tpu.memref_slice %arg4[%add3A_1017, %dma_start3A_1025, %dma_start3A_1026] : memref<4096x26x128xf32, #tpu.memory_space<hbm>> -> memref<1x26x128xf32, #tpu.memory_space<hbm>>
      %dma_start3A_1028 = tpu.memref_squeeze %dma_start3A_1027 : memref<1x26x128xf32, #tpu.memory_space<hbm>> -> memref<26x128xf32, #tpu.memory_space<hbm>>
      %dma_start3A_1029 = arith.constant 52 : i32
      %dma_start3A_1030 = arith.constant 0 : i32
      %dma_start3A_1031 = tpu.memref_slice %arg8[%dma_start3A_1029, %dma_start3A_1030] : memref<104x128xf32, #tpu.memory_space<vmem>> -> memref<26x128xf32, #tpu.memory_space<vmem>>
      tpu.enqueue_dma source(%dma_start3A_1031 : memref<26x128xf32, #tpu.memory_space<vmem>>) target(%dma_start3A_1028 : memref<26x128xf32, #tpu.memory_space<hbm>>) target_semaphore(%arg16 : memref<!tpu.dma_semaphore, #tpu.memory_space<semaphore_mem>>)
      %mul3A_1032 = arith.constant 4 : i32
      %mul3A_1033 = arith.muli %add3A_968, %mul3A_1032 : i32
      %add3A_1034 = arith.addi %mul3A_2, %mul3A_1033 : i32
      %add3A_1035 = arith.constant 3 : i32
      %add3A_1036 = arith.addi %add3A_1034, %add3A_1035 : i32
      %dma_start3A_1037 = arith.constant 78 : i32
      %dma_start3A_1038 = arith.constant 0 : i32
      %dma_start3A_1039 = tpu.memref_slice %arg8[%dma_start3A_1037, %dma_start3A_1038] : memref<104x128xf32, #tpu.memory_space<vmem>> -> memref<26x128xf32, #tpu.memory_space<vmem>>
      %dma_start3A_1040 = arith.constant 0 : i32
      %dma_start3A_1041 = arith.constant 0 : i32
      %dma_start3A_1042 = tpu.memref_slice %arg4[%add3A_1036, %dma_start3A_1040, %dma_start3A_1041] : memref<4096x26x128xf32, #tpu.memory_space<hbm>> -> memref<1x26x128xf32, #tpu.memory_space<hbm>>
      %dma_start3A_1043 = tpu.memref_squeeze %dma_start3A_1042 : memref<1x26x128xf32, #tpu.memory_space<hbm>> -> memref<26x128xf32, #tpu.memory_space<hbm>>
      %dma_start3A_1044 = arith.constant 0 : i32
      %dma_start3A_1045 = arith.constant 0 : i32
      %dma_start3A_1046 = tpu.memref_slice %arg4[%add3A_1036, %dma_start3A_1044, %dma_start3A_1045] : memref<4096x26x128xf32, #tpu.memory_space<hbm>> -> memref<1x26x128xf32, #tpu.memory_space<hbm>>
      %dma_start3A_1047 = tpu.memref_squeeze %dma_start3A_1046 : memref<1x26x128xf32, #tpu.memory_space<hbm>> -> memref<26x128xf32, #tpu.memory_space<hbm>>
      %dma_start3A_1048 = arith.constant 78 : i32
      %dma_start3A_1049 = arith.constant 0 : i32
      %dma_start3A_1050 = tpu.memref_slice %arg8[%dma_start3A_1048, %dma_start3A_1049] : memref<104x128xf32, #tpu.memory_space<vmem>> -> memref<26x128xf32, #tpu.memory_space<vmem>>
      tpu.enqueue_dma source(%dma_start3A_1050 : memref<26x128xf32, #tpu.memory_space<vmem>>) target(%dma_start3A_1047 : memref<26x128xf32, #tpu.memory_space<hbm>>) target_semaphore(%arg16 : memref<!tpu.dma_semaphore, #tpu.memory_space<semaphore_mem>>)
      %mul3A_1051 = arith.constant 4 : i32
      %mul3A_1052 = arith.muli %add3A_968, %mul3A_1051 : i32
      %add3A_1053 = arith.addi %mul3A_2, %mul3A_1052 : i32
      %add3A_1054 = arith.constant 0 : i32
      %add3A_1055 = arith.addi %add3A_1053, %add3A_1054 : i32
      %dma_wait3A_1056 = arith.constant 0 : i32
      %dma_wait3A_1057 = arith.constant 0 : i32
      %dma_wait3A_1058 = tpu.memref_slice %arg8[%dma_wait3A_1056, %dma_wait3A_1057] : memref<104x128xf32, #tpu.memory_space<vmem>> -> memref<26x128xf32, #tpu.memory_space<vmem>>
      %dma_wait3A_1059 = arith.constant 0 : i32
      %dma_wait3A_1060 = arith.constant 0 : i32
      %dma_wait3A_1061 = tpu.memref_slice %arg4[%add3A_1055, %dma_wait3A_1059, %dma_wait3A_1060] : memref<4096x26x128xf32, #tpu.memory_space<hbm>> -> memref<1x26x128xf32, #tpu.memory_space<hbm>>
      %dma_wait3A_1062 = tpu.memref_squeeze %dma_wait3A_1061 : memref<1x26x128xf32, #tpu.memory_space<hbm>> -> memref<26x128xf32, #tpu.memory_space<hbm>>
      %dma_wait3A_1063 = arith.constant 0 : i32
      %dma_wait3A_1064 = arith.constant 0 : i32
      %dma_wait3A_1065 = tpu.memref_slice %arg4[%add3A_1055, %dma_wait3A_1063, %dma_wait3A_1064] : memref<4096x26x128xf32, #tpu.memory_space<hbm>> -> memref<1x26x128xf32, #tpu.memory_space<hbm>>
      %dma_wait3A_1066 = tpu.memref_squeeze %dma_wait3A_1065 : memref<1x26x128xf32, #tpu.memory_space<hbm>> -> memref<26x128xf32, #tpu.memory_space<hbm>>
      %dma_wait3A_1067 = arith.constant 0 : i32
      %dma_wait3A_1068 = arith.constant 0 : i32
      %dma_wait3A_1069 = tpu.memref_slice %arg8[%dma_wait3A_1067, %dma_wait3A_1068] : memref<104x128xf32, #tpu.memory_space<vmem>> -> memref<26x128xf32, #tpu.memory_space<vmem>>
      tpu.wait_dma2 semaphore(%arg16 : memref<!tpu.dma_semaphore, #tpu.memory_space<semaphore_mem>>) src(%dma_wait3A_1069 : memref<26x128xf32, #tpu.memory_space<vmem>>) dst(%dma_wait3A_1066 : memref<26x128xf32, #tpu.memory_space<hbm>>)
      %mul3A_1070 = arith.constant 4 : i32
      %mul3A_1071 = arith.muli %add3A_968, %mul3A_1070 : i32
      %add3A_1072 = arith.addi %mul3A_2, %mul3A_1071 : i32
      %add3A_1073 = arith.constant 1 : i32
      %add3A_1074 = arith.addi %add3A_1072, %add3A_1073 : i32
      %dma_wait3A_1075 = arith.constant 26 : i32
      %dma_wait3A_1076 = arith.constant 0 : i32
      %dma_wait3A_1077 = tpu.memref_slice %arg8[%dma_wait3A_1075, %dma_wait3A_1076] : memref<104x128xf32, #tpu.memory_space<vmem>> -> memref<26x128xf32, #tpu.memory_space<vmem>>
      %dma_wait3A_1078 = arith.constant 0 : i32
      %dma_wait3A_1079 = arith.constant 0 : i32
      %dma_wait3A_1080 = tpu.memref_slice %arg4[%add3A_1074, %dma_wait3A_1078, %dma_wait3A_1079] : memref<4096x26x128xf32, #tpu.memory_space<hbm>> -> memref<1x26x128xf32, #tpu.memory_space<hbm>>
      %dma_wait3A_1081 = tpu.memref_squeeze %dma_wait3A_1080 : memref<1x26x128xf32, #tpu.memory_space<hbm>> -> memref<26x128xf32, #tpu.memory_space<hbm>>
      %dma_wait3A_1082 = arith.constant 0 : i32
      %dma_wait3A_1083 = arith.constant 0 : i32
      %dma_wait3A_1084 = tpu.memref_slice %arg4[%add3A_1074, %dma_wait3A_1082, %dma_wait3A_1083] : memref<4096x26x128xf32, #tpu.memory_space<hbm>> -> memref<1x26x128xf32, #tpu.memory_space<hbm>>
      %dma_wait3A_1085 = tpu.memref_squeeze %dma_wait3A_1084 : memref<1x26x128xf32, #tpu.memory_space<hbm>> -> memref<26x128xf32, #tpu.memory_space<hbm>>
      %dma_wait3A_1086 = arith.constant 26 : i32
      %dma_wait3A_1087 = arith.constant 0 : i32
      %dma_wait3A_1088 = tpu.memref_slice %arg8[%dma_wait3A_1086, %dma_wait3A_1087] : memref<104x128xf32, #tpu.memory_space<vmem>> -> memref<26x128xf32, #tpu.memory_space<vmem>>
      tpu.wait_dma2 semaphore(%arg16 : memref<!tpu.dma_semaphore, #tpu.memory_space<semaphore_mem>>) src(%dma_wait3A_1088 : memref<26x128xf32, #tpu.memory_space<vmem>>) dst(%dma_wait3A_1085 : memref<26x128xf32, #tpu.memory_space<hbm>>)
      %mul3A_1089 = arith.constant 4 : i32
      %mul3A_1090 = arith.muli %add3A_968, %mul3A_1089 : i32
      %add3A_1091 = arith.addi %mul3A_2, %mul3A_1090 : i32
      %add3A_1092 = arith.constant 2 : i32
      %add3A_1093 = arith.addi %add3A_1091, %add3A_1092 : i32
      %dma_wait3A_1094 = arith.constant 52 : i32
      %dma_wait3A_1095 = arith.constant 0 : i32
      %dma_wait3A_1096 = tpu.memref_slice %arg8[%dma_wait3A_1094, %dma_wait3A_1095] : memref<104x128xf32, #tpu.memory_space<vmem>> -> memref<26x128xf32, #tpu.memory_space<vmem>>
      %dma_wait3A_1097 = arith.constant 0 : i32
      %dma_wait3A_1098 = arith.constant 0 : i32
      %dma_wait3A_1099 = tpu.memref_slice %arg4[%add3A_1093, %dma_wait3A_1097, %dma_wait3A_1098] : memref<4096x26x128xf32, #tpu.memory_space<hbm>> -> memref<1x26x128xf32, #tpu.memory_space<hbm>>
      %dma_wait3A_1100 = tpu.memref_squeeze %dma_wait3A_1099 : memref<1x26x128xf32, #tpu.memory_space<hbm>> -> memref<26x128xf32, #tpu.memory_space<hbm>>
      %dma_wait3A_1101 = arith.constant 0 : i32
      %dma_wait3A_1102 = arith.constant 0 : i32
      %dma_wait3A_1103 = tpu.memref_slice %arg4[%add3A_1093, %dma_wait3A_1101, %dma_wait3A_1102] : memref<4096x26x128xf32, #tpu.memory_space<hbm>> -> memref<1x26x128xf32, #tpu.memory_space<hbm>>
      %dma_wait3A_1104 = tpu.memref_squeeze %dma_wait3A_1103 : memref<1x26x128xf32, #tpu.memory_space<hbm>> -> memref<26x128xf32, #tpu.memory_space<hbm>>
      %dma_wait3A_1105 = arith.constant 52 : i32
      %dma_wait3A_1106 = arith.constant 0 : i32
      %dma_wait3A_1107 = tpu.memref_slice %arg8[%dma_wait3A_1105, %dma_wait3A_1106] : memref<104x128xf32, #tpu.memory_space<vmem>> -> memref<26x128xf32, #tpu.memory_space<vmem>>
      tpu.wait_dma2 semaphore(%arg16 : memref<!tpu.dma_semaphore, #tpu.memory_space<semaphore_mem>>) src(%dma_wait3A_1107 : memref<26x128xf32, #tpu.memory_space<vmem>>) dst(%dma_wait3A_1104 : memref<26x128xf32, #tpu.memory_space<hbm>>)
      %mul3A_1108 = arith.constant 4 : i32
      %mul3A_1109 = arith.muli %add3A_968, %mul3A_1108 : i32
      %add3A_1110 = arith.addi %mul3A_2, %mul3A_1109 : i32
      %add3A_1111 = arith.constant 3 : i32
      %add3A_1112 = arith.addi %add3A_1110, %add3A_1111 : i32
      %dma_wait3A_1113 = arith.constant 78 : i32
      %dma_wait3A_1114 = arith.constant 0 : i32
      %dma_wait3A_1115 = tpu.memref_slice %arg8[%dma_wait3A_1113, %dma_wait3A_1114] : memref<104x128xf32, #tpu.memory_space<vmem>> -> memref<26x128xf32, #tpu.memory_space<vmem>>
      %dma_wait3A_1116 = arith.constant 0 : i32
      %dma_wait3A_1117 = arith.constant 0 : i32
      %dma_wait3A_1118 = tpu.memref_slice %arg4[%add3A_1112, %dma_wait3A_1116, %dma_wait3A_1117] : memref<4096x26x128xf32, #tpu.memory_space<hbm>> -> memref<1x26x128xf32, #tpu.memory_space<hbm>>
      %dma_wait3A_1119 = tpu.memref_squeeze %dma_wait3A_1118 : memref<1x26x128xf32, #tpu.memory_space<hbm>> -> memref<26x128xf32, #tpu.memory_space<hbm>>
      %dma_wait3A_1120 = arith.constant 0 : i32
      %dma_wait3A_1121 = arith.constant 0 : i32
      %dma_wait3A_1122 = tpu.memref_slice %arg4[%add3A_1112, %dma_wait3A_1120, %dma_wait3A_1121] : memref<4096x26x128xf32, #tpu.memory_space<hbm>> -> memref<1x26x128xf32, #tpu.memory_space<hbm>>
      %dma_wait3A_1123 = tpu.memref_squeeze %dma_wait3A_1122 : memref<1x26x128xf32, #tpu.memory_space<hbm>> -> memref<26x128xf32, #tpu.memory_space<hbm>>
      %dma_wait3A_1124 = arith.constant 78 : i32
      %dma_wait3A_1125 = arith.constant 0 : i32
      %dma_wait3A_1126 = tpu.memref_slice %arg8[%dma_wait3A_1124, %dma_wait3A_1125] : memref<104x128xf32, #tpu.memory_space<vmem>> -> memref<26x128xf32, #tpu.memory_space<vmem>>
      tpu.wait_dma2 semaphore(%arg16 : memref<!tpu.dma_semaphore, #tpu.memory_space<semaphore_mem>>) src(%dma_wait3A_1126 : memref<26x128xf32, #tpu.memory_space<vmem>>) dst(%dma_wait3A_1123 : memref<26x128xf32, #tpu.memory_space<hbm>>)
      %add3A_1127 = arith.constant 4 : i32
      %add3A_1128 = arith.addi %add3A_968, %add3A_1127 : i32
      %mul3A_1129 = arith.constant 104 : i32
      %mul3A_1130 = arith.muli %add3A_1128, %mul3A_1129 : i32
      %dma_start3A_1131 = tpu.memref_slice %arg5[%mul3A_1130] : memref<3328xi32, #tpu.memory_space<vmem>> -> memref<104xi32, #tpu.memory_space<vmem>>
      %dma_start3A_1132 = arith.constant 0 : i32
      %dma_start3A_1133 = arith.constant 0 : i32
      %dma_start3A_1134 = tpu.memref_slice %arg3[%dma_start3A_1132, %dma_start3A_1133] : memref<100000x128xf32, #tpu.memory_space<hbm>> -> memref<100000x128xf32, #tpu.memory_space<hbm>>
      tpu.enqueue_indirect_dma source(%dma_start3A_1134 : memref<100000x128xf32, #tpu.memory_space<hbm>>) target(%arg8 : memref<104x128xf32, #tpu.memory_space<vmem>>) offsets(%dma_start3A_1131 : memref<104xi32, #tpu.memory_space<vmem>>) semaphore(%arg12 : memref<!tpu.dma_semaphore, #tpu.memory_space<semaphore_mem>>)
      %mul3A_1135 = arith.constant 4 : i32
      %mul3A_1136 = arith.muli %scan3A_624, %mul3A_1135 : i32
      %add3A_1137 = arith.constant 3 : i32
      %add3A_1138 = arith.addi %mul3A_1136, %add3A_1137 : i32
      %mul3A_1139 = arith.constant 104 : i32
      %mul3A_1140 = arith.muli %add3A_1138, %mul3A_1139 : i32
      %dma_wait3A_1141 = tpu.memref_slice %arg5[%mul3A_1140] : memref<3328xi32, #tpu.memory_space<vmem>> -> memref<104xi32, #tpu.memory_space<vmem>>
      %dma_wait3A_1142 = arith.constant 0 : i32
      %dma_wait3A_1143 = arith.constant 0 : i32
      %dma_wait3A_1144 = tpu.memref_slice %arg3[%dma_wait3A_1142, %dma_wait3A_1143] : memref<100000x128xf32, #tpu.memory_space<hbm>> -> memref<100000x128xf32, #tpu.memory_space<hbm>>
      tpu.wait_indirect_dma semaphore(%arg13 : memref<!tpu.dma_semaphore, #tpu.memory_space<semaphore_mem>>) src(%dma_wait3A_1144 : memref<100000x128xf32, #tpu.memory_space<hbm>>) dst(%arg9 : memref<104x128xf32, #tpu.memory_space<vmem>>)
      %mul3A_1145 = arith.constant 4 : i32
      %mul3A_1146 = arith.muli %add3A_1138, %mul3A_1145 : i32
      %add3A_1147 = arith.addi %mul3A_2, %mul3A_1146 : i32
      %add3A_1148 = arith.constant 0 : i32
      %add3A_1149 = arith.addi %add3A_1147, %add3A_1148 : i32
      %dma_start3A_1150 = arith.constant 0 : i32
      %dma_start3A_1151 = arith.constant 0 : i32
      %dma_start3A_1152 = tpu.memref_slice %arg9[%dma_start3A_1150, %dma_start3A_1151] : memref<104x128xf32, #tpu.memory_space<vmem>> -> memref<26x128xf32, #tpu.memory_space<vmem>>
      %dma_start3A_1153 = arith.constant 0 : i32
      %dma_start3A_1154 = arith.constant 0 : i32
      %dma_start3A_1155 = tpu.memref_slice %arg4[%add3A_1149, %dma_start3A_1153, %dma_start3A_1154] : memref<4096x26x128xf32, #tpu.memory_space<hbm>> -> memref<1x26x128xf32, #tpu.memory_space<hbm>>
      %dma_start3A_1156 = tpu.memref_squeeze %dma_start3A_1155 : memref<1x26x128xf32, #tpu.memory_space<hbm>> -> memref<26x128xf32, #tpu.memory_space<hbm>>
      %dma_start3A_1157 = arith.constant 0 : i32
      %dma_start3A_1158 = arith.constant 0 : i32
      %dma_start3A_1159 = tpu.memref_slice %arg4[%add3A_1149, %dma_start3A_1157, %dma_start3A_1158] : memref<4096x26x128xf32, #tpu.memory_space<hbm>> -> memref<1x26x128xf32, #tpu.memory_space<hbm>>
      %dma_start3A_1160 = tpu.memref_squeeze %dma_start3A_1159 : memref<1x26x128xf32, #tpu.memory_space<hbm>> -> memref<26x128xf32, #tpu.memory_space<hbm>>
      %dma_start3A_1161 = arith.constant 0 : i32
      %dma_start3A_1162 = arith.constant 0 : i32
      %dma_start3A_1163 = tpu.memref_slice %arg9[%dma_start3A_1161, %dma_start3A_1162] : memref<104x128xf32, #tpu.memory_space<vmem>> -> memref<26x128xf32, #tpu.memory_space<vmem>>
      tpu.enqueue_dma source(%dma_start3A_1163 : memref<26x128xf32, #tpu.memory_space<vmem>>) target(%dma_start3A_1160 : memref<26x128xf32, #tpu.memory_space<hbm>>) target_semaphore(%arg17 : memref<!tpu.dma_semaphore, #tpu.memory_space<semaphore_mem>>)
      %mul3A_1164 = arith.constant 4 : i32
      %mul3A_1165 = arith.muli %add3A_1138, %mul3A_1164 : i32
      %add3A_1166 = arith.addi %mul3A_2, %mul3A_1165 : i32
      %add3A_1167 = arith.constant 1 : i32
      %add3A_1168 = arith.addi %add3A_1166, %add3A_1167 : i32
      %dma_start3A_1169 = arith.constant 26 : i32
      %dma_start3A_1170 = arith.constant 0 : i32
      %dma_start3A_1171 = tpu.memref_slice %arg9[%dma_start3A_1169, %dma_start3A_1170] : memref<104x128xf32, #tpu.memory_space<vmem>> -> memref<26x128xf32, #tpu.memory_space<vmem>>
      %dma_start3A_1172 = arith.constant 0 : i32
      %dma_start3A_1173 = arith.constant 0 : i32
      %dma_start3A_1174 = tpu.memref_slice %arg4[%add3A_1168, %dma_start3A_1172, %dma_start3A_1173] : memref<4096x26x128xf32, #tpu.memory_space<hbm>> -> memref<1x26x128xf32, #tpu.memory_space<hbm>>
      %dma_start3A_1175 = tpu.memref_squeeze %dma_start3A_1174 : memref<1x26x128xf32, #tpu.memory_space<hbm>> -> memref<26x128xf32, #tpu.memory_space<hbm>>
      %dma_start3A_1176 = arith.constant 0 : i32
      %dma_start3A_1177 = arith.constant 0 : i32
      %dma_start3A_1178 = tpu.memref_slice %arg4[%add3A_1168, %dma_start3A_1176, %dma_start3A_1177] : memref<4096x26x128xf32, #tpu.memory_space<hbm>> -> memref<1x26x128xf32, #tpu.memory_space<hbm>>
      %dma_start3A_1179 = tpu.memref_squeeze %dma_start3A_1178 : memref<1x26x128xf32, #tpu.memory_space<hbm>> -> memref<26x128xf32, #tpu.memory_space<hbm>>
      %dma_start3A_1180 = arith.constant 26 : i32
      %dma_start3A_1181 = arith.constant 0 : i32
      %dma_start3A_1182 = tpu.memref_slice %arg9[%dma_start3A_1180, %dma_start3A_1181] : memref<104x128xf32, #tpu.memory_space<vmem>> -> memref<26x128xf32, #tpu.memory_space<vmem>>
      tpu.enqueue_dma source(%dma_start3A_1182 : memref<26x128xf32, #tpu.memory_space<vmem>>) target(%dma_start3A_1179 : memref<26x128xf32, #tpu.memory_space<hbm>>) target_semaphore(%arg17 : memref<!tpu.dma_semaphore, #tpu.memory_space<semaphore_mem>>)
      %mul3A_1183 = arith.constant 4 : i32
      %mul3A_1184 = arith.muli %add3A_1138, %mul3A_1183 : i32
      %add3A_1185 = arith.addi %mul3A_2, %mul3A_1184 : i32
      %add3A_1186 = arith.constant 2 : i32
      %add3A_1187 = arith.addi %add3A_1185, %add3A_1186 : i32
      %dma_start3A_1188 = arith.constant 52 : i32
      %dma_start3A_1189 = arith.constant 0 : i32
      %dma_start3A_1190 = tpu.memref_slice %arg9[%dma_start3A_1188, %dma_start3A_1189] : memref<104x128xf32, #tpu.memory_space<vmem>> -> memref<26x128xf32, #tpu.memory_space<vmem>>
      %dma_start3A_1191 = arith.constant 0 : i32
      %dma_start3A_1192 = arith.constant 0 : i32
      %dma_start3A_1193 = tpu.memref_slice %arg4[%add3A_1187, %dma_start3A_1191, %dma_start3A_1192] : memref<4096x26x128xf32, #tpu.memory_space<hbm>> -> memref<1x26x128xf32, #tpu.memory_space<hbm>>
      %dma_start3A_1194 = tpu.memref_squeeze %dma_start3A_1193 : memref<1x26x128xf32, #tpu.memory_space<hbm>> -> memref<26x128xf32, #tpu.memory_space<hbm>>
      %dma_start3A_1195 = arith.constant 0 : i32
      %dma_start3A_1196 = arith.constant 0 : i32
      %dma_start3A_1197 = tpu.memref_slice %arg4[%add3A_1187, %dma_start3A_1195, %dma_start3A_1196] : memref<4096x26x128xf32, #tpu.memory_space<hbm>> -> memref<1x26x128xf32, #tpu.memory_space<hbm>>
      %dma_start3A_1198 = tpu.memref_squeeze %dma_start3A_1197 : memref<1x26x128xf32, #tpu.memory_space<hbm>> -> memref<26x128xf32, #tpu.memory_space<hbm>>
      %dma_start3A_1199 = arith.constant 52 : i32
      %dma_start3A_1200 = arith.constant 0 : i32
      %dma_start3A_1201 = tpu.memref_slice %arg9[%dma_start3A_1199, %dma_start3A_1200] : memref<104x128xf32, #tpu.memory_space<vmem>> -> memref<26x128xf32, #tpu.memory_space<vmem>>
      tpu.enqueue_dma source(%dma_start3A_1201 : memref<26x128xf32, #tpu.memory_space<vmem>>) target(%dma_start3A_1198 : memref<26x128xf32, #tpu.memory_space<hbm>>) target_semaphore(%arg17 : memref<!tpu.dma_semaphore, #tpu.memory_space<semaphore_mem>>)
      %mul3A_1202 = arith.constant 4 : i32
      %mul3A_1203 = arith.muli %add3A_1138, %mul3A_1202 : i32
      %add3A_1204 = arith.addi %mul3A_2, %mul3A_1203 : i32
      %add3A_1205 = arith.constant 3 : i32
      %add3A_1206 = arith.addi %add3A_1204, %add3A_1205 : i32
      %dma_start3A_1207 = arith.constant 78 : i32
      %dma_start3A_1208 = arith.constant 0 : i32
      %dma_start3A_1209 = tpu.memref_slice %arg9[%dma_start3A_1207, %dma_start3A_1208] : memref<104x128xf32, #tpu.memory_space<vmem>> -> memref<26x128xf32, #tpu.memory_space<vmem>>
      %dma_start3A_1210 = arith.constant 0 : i32
      %dma_start3A_1211 = arith.constant 0 : i32
      %dma_start3A_1212 = tpu.memref_slice %arg4[%add3A_1206, %dma_start3A_1210, %dma_start3A_1211] : memref<4096x26x128xf32, #tpu.memory_space<hbm>> -> memref<1x26x128xf32, #tpu.memory_space<hbm>>
      %dma_start3A_1213 = tpu.memref_squeeze %dma_start3A_1212 : memref<1x26x128xf32, #tpu.memory_space<hbm>> -> memref<26x128xf32, #tpu.memory_space<hbm>>
      %dma_start3A_1214 = arith.constant 0 : i32
      %dma_start3A_1215 = arith.constant 0 : i32
      %dma_start3A_1216 = tpu.memref_slice %arg4[%add3A_1206, %dma_start3A_1214, %dma_start3A_1215] : memref<4096x26x128xf32, #tpu.memory_space<hbm>> -> memref<1x26x128xf32, #tpu.memory_space<hbm>>
      %dma_start3A_1217 = tpu.memref_squeeze %dma_start3A_1216 : memref<1x26x128xf32, #tpu.memory_space<hbm>> -> memref<26x128xf32, #tpu.memory_space<hbm>>
      %dma_start3A_1218 = arith.constant 78 : i32
      %dma_start3A_1219 = arith.constant 0 : i32
      %dma_start3A_1220 = tpu.memref_slice %arg9[%dma_start3A_1218, %dma_start3A_1219] : memref<104x128xf32, #tpu.memory_space<vmem>> -> memref<26x128xf32, #tpu.memory_space<vmem>>
      tpu.enqueue_dma source(%dma_start3A_1220 : memref<26x128xf32, #tpu.memory_space<vmem>>) target(%dma_start3A_1217 : memref<26x128xf32, #tpu.memory_space<hbm>>) target_semaphore(%arg17 : memref<!tpu.dma_semaphore, #tpu.memory_space<semaphore_mem>>)
      %mul3A_1221 = arith.constant 4 : i32
      %mul3A_1222 = arith.muli %add3A_1138, %mul3A_1221 : i32
      %add3A_1223 = arith.addi %mul3A_2, %mul3A_1222 : i32
      %add3A_1224 = arith.constant 0 : i32
      %add3A_1225 = arith.addi %add3A_1223, %add3A_1224 : i32
      %dma_wait3A_1226 = arith.constant 0 : i32
      %dma_wait3A_1227 = arith.constant 0 : i32
      %dma_wait3A_1228 = tpu.memref_slice %arg9[%dma_wait3A_1226, %dma_wait3A_1227] : memref<104x128xf32, #tpu.memory_space<vmem>> -> memref<26x128xf32, #tpu.memory_space<vmem>>
      %dma_wait3A_1229 = arith.constant 0 : i32
      %dma_wait3A_1230 = arith.constant 0 : i32
      %dma_wait3A_1231 = tpu.memref_slice %arg4[%add3A_1225, %dma_wait3A_1229, %dma_wait3A_1230] : memref<4096x26x128xf32, #tpu.memory_space<hbm>> -> memref<1x26x128xf32, #tpu.memory_space<hbm>>
      %dma_wait3A_1232 = tpu.memref_squeeze %dma_wait3A_1231 : memref<1x26x128xf32, #tpu.memory_space<hbm>> -> memref<26x128xf32, #tpu.memory_space<hbm>>
      %dma_wait3A_1233 = arith.constant 0 : i32
      %dma_wait3A_1234 = arith.constant 0 : i32
      %dma_wait3A_1235 = tpu.memref_slice %arg4[%add3A_1225, %dma_wait3A_1233, %dma_wait3A_1234] : memref<4096x26x128xf32, #tpu.memory_space<hbm>> -> memref<1x26x128xf32, #tpu.memory_space<hbm>>
      %dma_wait3A_1236 = tpu.memref_squeeze %dma_wait3A_1235 : memref<1x26x128xf32, #tpu.memory_space<hbm>> -> memref<26x128xf32, #tpu.memory_space<hbm>>
      %dma_wait3A_1237 = arith.constant 0 : i32
      %dma_wait3A_1238 = arith.constant 0 : i32
      %dma_wait3A_1239 = tpu.memref_slice %arg9[%dma_wait3A_1237, %dma_wait3A_1238] : memref<104x128xf32, #tpu.memory_space<vmem>> -> memref<26x128xf32, #tpu.memory_space<vmem>>
      tpu.wait_dma2 semaphore(%arg17 : memref<!tpu.dma_semaphore, #tpu.memory_space<semaphore_mem>>) src(%dma_wait3A_1239 : memref<26x128xf32, #tpu.memory_space<vmem>>) dst(%dma_wait3A_1236 : memref<26x128xf32, #tpu.memory_space<hbm>>)
      %mul3A_1240 = arith.constant 4 : i32
      %mul3A_1241 = arith.muli %add3A_1138, %mul3A_1240 : i32
      %add3A_1242 = arith.addi %mul3A_2, %mul3A_1241 : i32
      %add3A_1243 = arith.constant 1 : i32
      %add3A_1244 = arith.addi %add3A_1242, %add3A_1243 : i32
      %dma_wait3A_1245 = arith.constant 26 : i32
      %dma_wait3A_1246 = arith.constant 0 : i32
      %dma_wait3A_1247 = tpu.memref_slice %arg9[%dma_wait3A_1245, %dma_wait3A_1246] : memref<104x128xf32, #tpu.memory_space<vmem>> -> memref<26x128xf32, #tpu.memory_space<vmem>>
      %dma_wait3A_1248 = arith.constant 0 : i32
      %dma_wait3A_1249 = arith.constant 0 : i32
      %dma_wait3A_1250 = tpu.memref_slice %arg4[%add3A_1244, %dma_wait3A_1248, %dma_wait3A_1249] : memref<4096x26x128xf32, #tpu.memory_space<hbm>> -> memref<1x26x128xf32, #tpu.memory_space<hbm>>
      %dma_wait3A_1251 = tpu.memref_squeeze %dma_wait3A_1250 : memref<1x26x128xf32, #tpu.memory_space<hbm>> -> memref<26x128xf32, #tpu.memory_space<hbm>>
      %dma_wait3A_1252 = arith.constant 0 : i32
      %dma_wait3A_1253 = arith.constant 0 : i32
      %dma_wait3A_1254 = tpu.memref_slice %arg4[%add3A_1244, %dma_wait3A_1252, %dma_wait3A_1253] : memref<4096x26x128xf32, #tpu.memory_space<hbm>> -> memref<1x26x128xf32, #tpu.memory_space<hbm>>
      %dma_wait3A_1255 = tpu.memref_squeeze %dma_wait3A_1254 : memref<1x26x128xf32, #tpu.memory_space<hbm>> -> memref<26x128xf32, #tpu.memory_space<hbm>>
      %dma_wait3A_1256 = arith.constant 26 : i32
      %dma_wait3A_1257 = arith.constant 0 : i32
      %dma_wait3A_1258 = tpu.memref_slice %arg9[%dma_wait3A_1256, %dma_wait3A_1257] : memref<104x128xf32, #tpu.memory_space<vmem>> -> memref<26x128xf32, #tpu.memory_space<vmem>>
      tpu.wait_dma2 semaphore(%arg17 : memref<!tpu.dma_semaphore, #tpu.memory_space<semaphore_mem>>) src(%dma_wait3A_1258 : memref<26x128xf32, #tpu.memory_space<vmem>>) dst(%dma_wait3A_1255 : memref<26x128xf32, #tpu.memory_space<hbm>>)
      %mul3A_1259 = arith.constant 4 : i32
      %mul3A_1260 = arith.muli %add3A_1138, %mul3A_1259 : i32
      %add3A_1261 = arith.addi %mul3A_2, %mul3A_1260 : i32
      %add3A_1262 = arith.constant 2 : i32
      %add3A_1263 = arith.addi %add3A_1261, %add3A_1262 : i32
      %dma_wait3A_1264 = arith.constant 52 : i32
      %dma_wait3A_1265 = arith.constant 0 : i32
      %dma_wait3A_1266 = tpu.memref_slice %arg9[%dma_wait3A_1264, %dma_wait3A_1265] : memref<104x128xf32, #tpu.memory_space<vmem>> -> memref<26x128xf32, #tpu.memory_space<vmem>>
      %dma_wait3A_1267 = arith.constant 0 : i32
      %dma_wait3A_1268 = arith.constant 0 : i32
      %dma_wait3A_1269 = tpu.memref_slice %arg4[%add3A_1263, %dma_wait3A_1267, %dma_wait3A_1268] : memref<4096x26x128xf32, #tpu.memory_space<hbm>> -> memref<1x26x128xf32, #tpu.memory_space<hbm>>
      %dma_wait3A_1270 = tpu.memref_squeeze %dma_wait3A_1269 : memref<1x26x128xf32, #tpu.memory_space<hbm>> -> memref<26x128xf32, #tpu.memory_space<hbm>>
      %dma_wait3A_1271 = arith.constant 0 : i32
      %dma_wait3A_1272 = arith.constant 0 : i32
      %dma_wait3A_1273 = tpu.memref_slice %arg4[%add3A_1263, %dma_wait3A_1271, %dma_wait3A_1272] : memref<4096x26x128xf32, #tpu.memory_space<hbm>> -> memref<1x26x128xf32, #tpu.memory_space<hbm>>
      %dma_wait3A_1274 = tpu.memref_squeeze %dma_wait3A_1273 : memref<1x26x128xf32, #tpu.memory_space<hbm>> -> memref<26x128xf32, #tpu.memory_space<hbm>>
      %dma_wait3A_1275 = arith.constant 52 : i32
      %dma_wait3A_1276 = arith.constant 0 : i32
      %dma_wait3A_1277 = tpu.memref_slice %arg9[%dma_wait3A_1275, %dma_wait3A_1276] : memref<104x128xf32, #tpu.memory_space<vmem>> -> memref<26x128xf32, #tpu.memory_space<vmem>>
      tpu.wait_dma2 semaphore(%arg17 : memref<!tpu.dma_semaphore, #tpu.memory_space<semaphore_mem>>) src(%dma_wait3A_1277 : memref<26x128xf32, #tpu.memory_space<vmem>>) dst(%dma_wait3A_1274 : memref<26x128xf32, #tpu.memory_space<hbm>>)
      %mul3A_1278 = arith.constant 4 : i32
      %mul3A_1279 = arith.muli %add3A_1138, %mul3A_1278 : i32
      %add3A_1280 = arith.addi %mul3A_2, %mul3A_1279 : i32
      %add3A_1281 = arith.constant 3 : i32
      %add3A_1282 = arith.addi %add3A_1280, %add3A_1281 : i32
      %dma_wait3A_1283 = arith.constant 78 : i32
      %dma_wait3A_1284 = arith.constant 0 : i32
      %dma_wait3A_1285 = tpu.memref_slice %arg9[%dma_wait3A_1283, %dma_wait3A_1284] : memref<104x128xf32, #tpu.memory_space<vmem>> -> memref<26x128xf32, #tpu.memory_space<vmem>>
      %dma_wait3A_1286 = arith.constant 0 : i32
      %dma_wait3A_1287 = arith.constant 0 : i32
      %dma_wait3A_1288 = tpu.memref_slice %arg4[%add3A_1282, %dma_wait3A_1286, %dma_wait3A_1287] : memref<4096x26x128xf32, #tpu.memory_space<hbm>> -> memref<1x26x128xf32, #tpu.memory_space<hbm>>
      %dma_wait3A_1289 = tpu.memref_squeeze %dma_wait3A_1288 : memref<1x26x128xf32, #tpu.memory_space<hbm>> -> memref<26x128xf32, #tpu.memory_space<hbm>>
      %dma_wait3A_1290 = arith.constant 0 : i32
      %dma_wait3A_1291 = arith.constant 0 : i32
      %dma_wait3A_1292 = tpu.memref_slice %arg4[%add3A_1282, %dma_wait3A_1290, %dma_wait3A_1291] : memref<4096x26x128xf32, #tpu.memory_space<hbm>> -> memref<1x26x128xf32, #tpu.memory_space<hbm>>
      %dma_wait3A_1293 = tpu.memref_squeeze %dma_wait3A_1292 : memref<1x26x128xf32, #tpu.memory_space<hbm>> -> memref<26x128xf32, #tpu.memory_space<hbm>>
      %dma_wait3A_1294 = arith.constant 78 : i32
      %dma_wait3A_1295 = arith.constant 0 : i32
      %dma_wait3A_1296 = tpu.memref_slice %arg9[%dma_wait3A_1294, %dma_wait3A_1295] : memref<104x128xf32, #tpu.memory_space<vmem>> -> memref<26x128xf32, #tpu.memory_space<vmem>>
      tpu.wait_dma2 semaphore(%arg17 : memref<!tpu.dma_semaphore, #tpu.memory_space<semaphore_mem>>) src(%dma_wait3A_1296 : memref<26x128xf32, #tpu.memory_space<vmem>>) dst(%dma_wait3A_1293 : memref<26x128xf32, #tpu.memory_space<hbm>>)
      %add3A_1297 = arith.constant 4 : i32
      %add3A_1298 = arith.addi %add3A_1138, %add3A_1297 : i32
      %mul3A_1299 = arith.constant 104 : i32
      %mul3A_1300 = arith.muli %add3A_1298, %mul3A_1299 : i32
      %dma_start3A_1301 = tpu.memref_slice %arg5[%mul3A_1300] : memref<3328xi32, #tpu.memory_space<vmem>> -> memref<104xi32, #tpu.memory_space<vmem>>
      %dma_start3A_1302 = arith.constant 0 : i32
      %dma_start3A_1303 = arith.constant 0 : i32
      %dma_start3A_1304 = tpu.memref_slice %arg3[%dma_start3A_1302, %dma_start3A_1303] : memref<100000x128xf32, #tpu.memory_space<hbm>> -> memref<100000x128xf32, #tpu.memory_space<hbm>>
      tpu.enqueue_indirect_dma source(%dma_start3A_1304 : memref<100000x128xf32, #tpu.memory_space<hbm>>) target(%arg9 : memref<104x128xf32, #tpu.memory_space<vmem>>) offsets(%dma_start3A_1301 : memref<104xi32, #tpu.memory_space<vmem>>) semaphore(%arg13 : memref<!tpu.dma_semaphore, #tpu.memory_space<semaphore_mem>>)
    }
    %scan3A_28 = arith.constant 7 : i32
    %dma_wait3A = arith.constant 2912 : i32
    %dma_wait3A_29 = tpu.memref_slice %arg5[%dma_wait3A] : memref<3328xi32, #tpu.memory_space<vmem>> -> memref<104xi32, #tpu.memory_space<vmem>>
    %dma_wait3A_30 = arith.constant 0 : i32
    %dma_wait3A_31 = arith.constant 0 : i32
    %dma_wait3A_32 = tpu.memref_slice %arg3[%dma_wait3A_30, %dma_wait3A_31] : memref<100000x128xf32, #tpu.memory_space<hbm>> -> memref<100000x128xf32, #tpu.memory_space<hbm>>
    tpu.wait_indirect_dma semaphore(%arg10 : memref<!tpu.dma_semaphore, #tpu.memory_space<semaphore_mem>>) src(%dma_wait3A_32 : memref<100000x128xf32, #tpu.memory_space<hbm>>) dst(%arg6 : memref<104x128xf32, #tpu.memory_space<vmem>>)
    %add3A_33 = arith.constant 112 : i32
    %add3A_34 = arith.addi %mul3A_2, %add3A_33 : i32
    %add3A_35 = arith.constant 0 : i32
    %add3A_36 = arith.addi %add3A_34, %add3A_35 : i32
    %dma_start3A_37 = arith.constant 0 : i32
    %dma_start3A_38 = arith.constant 0 : i32
    %dma_start3A_39 = tpu.memref_slice %arg6[%dma_start3A_37, %dma_start3A_38] : memref<104x128xf32, #tpu.memory_space<vmem>> -> memref<26x128xf32, #tpu.memory_space<vmem>>
    %dma_start3A_40 = arith.constant 0 : i32
    %dma_start3A_41 = arith.constant 0 : i32
    %dma_start3A_42 = tpu.memref_slice %arg4[%add3A_36, %dma_start3A_40, %dma_start3A_41] : memref<4096x26x128xf32, #tpu.memory_space<hbm>> -> memref<1x26x128xf32, #tpu.memory_space<hbm>>
    %dma_start3A_43 = tpu.memref_squeeze %dma_start3A_42 : memref<1x26x128xf32, #tpu.memory_space<hbm>> -> memref<26x128xf32, #tpu.memory_space<hbm>>
    %dma_start3A_44 = arith.constant 0 : i32
    %dma_start3A_45 = arith.constant 0 : i32
    %dma_start3A_46 = tpu.memref_slice %arg4[%add3A_36, %dma_start3A_44, %dma_start3A_45] : memref<4096x26x128xf32, #tpu.memory_space<hbm>> -> memref<1x26x128xf32, #tpu.memory_space<hbm>>
    %dma_start3A_47 = tpu.memref_squeeze %dma_start3A_46 : memref<1x26x128xf32, #tpu.memory_space<hbm>> -> memref<26x128xf32, #tpu.memory_space<hbm>>
    %dma_start3A_48 = arith.constant 0 : i32
    %dma_start3A_49 = arith.constant 0 : i32
    %dma_start3A_50 = tpu.memref_slice %arg6[%dma_start3A_48, %dma_start3A_49] : memref<104x128xf32, #tpu.memory_space<vmem>> -> memref<26x128xf32, #tpu.memory_space<vmem>>
    tpu.enqueue_dma source(%dma_start3A_50 : memref<26x128xf32, #tpu.memory_space<vmem>>) target(%dma_start3A_47 : memref<26x128xf32, #tpu.memory_space<hbm>>) target_semaphore(%arg14 : memref<!tpu.dma_semaphore, #tpu.memory_space<semaphore_mem>>)
    %add3A_51 = arith.constant 112 : i32
    %add3A_52 = arith.addi %mul3A_2, %add3A_51 : i32
    %add3A_53 = arith.constant 1 : i32
    %add3A_54 = arith.addi %add3A_52, %add3A_53 : i32
    %dma_start3A_55 = arith.constant 26 : i32
    %dma_start3A_56 = arith.constant 0 : i32
    %dma_start3A_57 = tpu.memref_slice %arg6[%dma_start3A_55, %dma_start3A_56] : memref<104x128xf32, #tpu.memory_space<vmem>> -> memref<26x128xf32, #tpu.memory_space<vmem>>
    %dma_start3A_58 = arith.constant 0 : i32
    %dma_start3A_59 = arith.constant 0 : i32
    %dma_start3A_60 = tpu.memref_slice %arg4[%add3A_54, %dma_start3A_58, %dma_start3A_59] : memref<4096x26x128xf32, #tpu.memory_space<hbm>> -> memref<1x26x128xf32, #tpu.memory_space<hbm>>
    %dma_start3A_61 = tpu.memref_squeeze %dma_start3A_60 : memref<1x26x128xf32, #tpu.memory_space<hbm>> -> memref<26x128xf32, #tpu.memory_space<hbm>>
    %dma_start3A_62 = arith.constant 0 : i32
    %dma_start3A_63 = arith.constant 0 : i32
    %dma_start3A_64 = tpu.memref_slice %arg4[%add3A_54, %dma_start3A_62, %dma_start3A_63] : memref<4096x26x128xf32, #tpu.memory_space<hbm>> -> memref<1x26x128xf32, #tpu.memory_space<hbm>>
    %dma_start3A_65 = tpu.memref_squeeze %dma_start3A_64 : memref<1x26x128xf32, #tpu.memory_space<hbm>> -> memref<26x128xf32, #tpu.memory_space<hbm>>
    %dma_start3A_66 = arith.constant 26 : i32
    %dma_start3A_67 = arith.constant 0 : i32
    %dma_start3A_68 = tpu.memref_slice %arg6[%dma_start3A_66, %dma_start3A_67] : memref<104x128xf32, #tpu.memory_space<vmem>> -> memref<26x128xf32, #tpu.memory_space<vmem>>
    tpu.enqueue_dma source(%dma_start3A_68 : memref<26x128xf32, #tpu.memory_space<vmem>>) target(%dma_start3A_65 : memref<26x128xf32, #tpu.memory_space<hbm>>) target_semaphore(%arg14 : memref<!tpu.dma_semaphore, #tpu.memory_space<semaphore_mem>>)
    %add3A_69 = arith.constant 112 : i32
    %add3A_70 = arith.addi %mul3A_2, %add3A_69 : i32
    %add3A_71 = arith.constant 2 : i32
    %add3A_72 = arith.addi %add3A_70, %add3A_71 : i32
    %dma_start3A_73 = arith.constant 52 : i32
    %dma_start3A_74 = arith.constant 0 : i32
    %dma_start3A_75 = tpu.memref_slice %arg6[%dma_start3A_73, %dma_start3A_74] : memref<104x128xf32, #tpu.memory_space<vmem>> -> memref<26x128xf32, #tpu.memory_space<vmem>>
    %dma_start3A_76 = arith.constant 0 : i32
    %dma_start3A_77 = arith.constant 0 : i32
    %dma_start3A_78 = tpu.memref_slice %arg4[%add3A_72, %dma_start3A_76, %dma_start3A_77] : memref<4096x26x128xf32, #tpu.memory_space<hbm>> -> memref<1x26x128xf32, #tpu.memory_space<hbm>>
    %dma_start3A_79 = tpu.memref_squeeze %dma_start3A_78 : memref<1x26x128xf32, #tpu.memory_space<hbm>> -> memref<26x128xf32, #tpu.memory_space<hbm>>
    %dma_start3A_80 = arith.constant 0 : i32
    %dma_start3A_81 = arith.constant 0 : i32
    %dma_start3A_82 = tpu.memref_slice %arg4[%add3A_72, %dma_start3A_80, %dma_start3A_81] : memref<4096x26x128xf32, #tpu.memory_space<hbm>> -> memref<1x26x128xf32, #tpu.memory_space<hbm>>
    %dma_start3A_83 = tpu.memref_squeeze %dma_start3A_82 : memref<1x26x128xf32, #tpu.memory_space<hbm>> -> memref<26x128xf32, #tpu.memory_space<hbm>>
    %dma_start3A_84 = arith.constant 52 : i32
    %dma_start3A_85 = arith.constant 0 : i32
    %dma_start3A_86 = tpu.memref_slice %arg6[%dma_start3A_84, %dma_start3A_85] : memref<104x128xf32, #tpu.memory_space<vmem>> -> memref<26x128xf32, #tpu.memory_space<vmem>>
    tpu.enqueue_dma source(%dma_start3A_86 : memref<26x128xf32, #tpu.memory_space<vmem>>) target(%dma_start3A_83 : memref<26x128xf32, #tpu.memory_space<hbm>>) target_semaphore(%arg14 : memref<!tpu.dma_semaphore, #tpu.memory_space<semaphore_mem>>)
    %add3A_87 = arith.constant 112 : i32
    %add3A_88 = arith.addi %mul3A_2, %add3A_87 : i32
    %add3A_89 = arith.constant 3 : i32
    %add3A_90 = arith.addi %add3A_88, %add3A_89 : i32
    %dma_start3A_91 = arith.constant 78 : i32
    %dma_start3A_92 = arith.constant 0 : i32
    %dma_start3A_93 = tpu.memref_slice %arg6[%dma_start3A_91, %dma_start3A_92] : memref<104x128xf32, #tpu.memory_space<vmem>> -> memref<26x128xf32, #tpu.memory_space<vmem>>
    %dma_start3A_94 = arith.constant 0 : i32
    %dma_start3A_95 = arith.constant 0 : i32
    %dma_start3A_96 = tpu.memref_slice %arg4[%add3A_90, %dma_start3A_94, %dma_start3A_95] : memref<4096x26x128xf32, #tpu.memory_space<hbm>> -> memref<1x26x128xf32, #tpu.memory_space<hbm>>
    %dma_start3A_97 = tpu.memref_squeeze %dma_start3A_96 : memref<1x26x128xf32, #tpu.memory_space<hbm>> -> memref<26x128xf32, #tpu.memory_space<hbm>>
    %dma_start3A_98 = arith.constant 0 : i32
    %dma_start3A_99 = arith.constant 0 : i32
    %dma_start3A_100 = tpu.memref_slice %arg4[%add3A_90, %dma_start3A_98, %dma_start3A_99] : memref<4096x26x128xf32, #tpu.memory_space<hbm>> -> memref<1x26x128xf32, #tpu.memory_space<hbm>>
    %dma_start3A_101 = tpu.memref_squeeze %dma_start3A_100 : memref<1x26x128xf32, #tpu.memory_space<hbm>> -> memref<26x128xf32, #tpu.memory_space<hbm>>
    %dma_start3A_102 = arith.constant 78 : i32
    %dma_start3A_103 = arith.constant 0 : i32
    %dma_start3A_104 = tpu.memref_slice %arg6[%dma_start3A_102, %dma_start3A_103] : memref<104x128xf32, #tpu.memory_space<vmem>> -> memref<26x128xf32, #tpu.memory_space<vmem>>
    tpu.enqueue_dma source(%dma_start3A_104 : memref<26x128xf32, #tpu.memory_space<vmem>>) target(%dma_start3A_101 : memref<26x128xf32, #tpu.memory_space<hbm>>) target_semaphore(%arg14 : memref<!tpu.dma_semaphore, #tpu.memory_space<semaphore_mem>>)
    %dma_wait3A_105 = arith.constant 3016 : i32
    %dma_wait3A_106 = tpu.memref_slice %arg5[%dma_wait3A_105] : memref<3328xi32, #tpu.memory_space<vmem>> -> memref<104xi32, #tpu.memory_space<vmem>>
    %dma_wait3A_107 = arith.constant 0 : i32
    %dma_wait3A_108 = arith.constant 0 : i32
    %dma_wait3A_109 = tpu.memref_slice %arg3[%dma_wait3A_107, %dma_wait3A_108] : memref<100000x128xf32, #tpu.memory_space<hbm>> -> memref<100000x128xf32, #tpu.memory_space<hbm>>
    tpu.wait_indirect_dma semaphore(%arg11 : memref<!tpu.dma_semaphore, #tpu.memory_space<semaphore_mem>>) src(%dma_wait3A_109 : memref<100000x128xf32, #tpu.memory_space<hbm>>) dst(%arg7 : memref<104x128xf32, #tpu.memory_space<vmem>>)
    %add3A_110 = arith.constant 116 : i32
    %add3A_111 = arith.addi %mul3A_2, %add3A_110 : i32
    %add3A_112 = arith.constant 0 : i32
    %add3A_113 = arith.addi %add3A_111, %add3A_112 : i32
    %dma_start3A_114 = arith.constant 0 : i32
    %dma_start3A_115 = arith.constant 0 : i32
    %dma_start3A_116 = tpu.memref_slice %arg7[%dma_start3A_114, %dma_start3A_115] : memref<104x128xf32, #tpu.memory_space<vmem>> -> memref<26x128xf32, #tpu.memory_space<vmem>>
    %dma_start3A_117 = arith.constant 0 : i32
    %dma_start3A_118 = arith.constant 0 : i32
    %dma_start3A_119 = tpu.memref_slice %arg4[%add3A_113, %dma_start3A_117, %dma_start3A_118] : memref<4096x26x128xf32, #tpu.memory_space<hbm>> -> memref<1x26x128xf32, #tpu.memory_space<hbm>>
    %dma_start3A_120 = tpu.memref_squeeze %dma_start3A_119 : memref<1x26x128xf32, #tpu.memory_space<hbm>> -> memref<26x128xf32, #tpu.memory_space<hbm>>
    %dma_start3A_121 = arith.constant 0 : i32
    %dma_start3A_122 = arith.constant 0 : i32
    %dma_start3A_123 = tpu.memref_slice %arg4[%add3A_113, %dma_start3A_121, %dma_start3A_122] : memref<4096x26x128xf32, #tpu.memory_space<hbm>> -> memref<1x26x128xf32, #tpu.memory_space<hbm>>
    %dma_start3A_124 = tpu.memref_squeeze %dma_start3A_123 : memref<1x26x128xf32, #tpu.memory_space<hbm>> -> memref<26x128xf32, #tpu.memory_space<hbm>>
    %dma_start3A_125 = arith.constant 0 : i32
    %dma_start3A_126 = arith.constant 0 : i32
    %dma_start3A_127 = tpu.memref_slice %arg7[%dma_start3A_125, %dma_start3A_126] : memref<104x128xf32, #tpu.memory_space<vmem>> -> memref<26x128xf32, #tpu.memory_space<vmem>>
    tpu.enqueue_dma source(%dma_start3A_127 : memref<26x128xf32, #tpu.memory_space<vmem>>) target(%dma_start3A_124 : memref<26x128xf32, #tpu.memory_space<hbm>>) target_semaphore(%arg15 : memref<!tpu.dma_semaphore, #tpu.memory_space<semaphore_mem>>)
    %add3A_128 = arith.constant 116 : i32
    %add3A_129 = arith.addi %mul3A_2, %add3A_128 : i32
    %add3A_130 = arith.constant 1 : i32
    %add3A_131 = arith.addi %add3A_129, %add3A_130 : i32
    %dma_start3A_132 = arith.constant 26 : i32
    %dma_start3A_133 = arith.constant 0 : i32
    %dma_start3A_134 = tpu.memref_slice %arg7[%dma_start3A_132, %dma_start3A_133] : memref<104x128xf32, #tpu.memory_space<vmem>> -> memref<26x128xf32, #tpu.memory_space<vmem>>
    %dma_start3A_135 = arith.constant 0 : i32
    %dma_start3A_136 = arith.constant 0 : i32
    %dma_start3A_137 = tpu.memref_slice %arg4[%add3A_131, %dma_start3A_135, %dma_start3A_136] : memref<4096x26x128xf32, #tpu.memory_space<hbm>> -> memref<1x26x128xf32, #tpu.memory_space<hbm>>
    %dma_start3A_138 = tpu.memref_squeeze %dma_start3A_137 : memref<1x26x128xf32, #tpu.memory_space<hbm>> -> memref<26x128xf32, #tpu.memory_space<hbm>>
    %dma_start3A_139 = arith.constant 0 : i32
    %dma_start3A_140 = arith.constant 0 : i32
    %dma_start3A_141 = tpu.memref_slice %arg4[%add3A_131, %dma_start3A_139, %dma_start3A_140] : memref<4096x26x128xf32, #tpu.memory_space<hbm>> -> memref<1x26x128xf32, #tpu.memory_space<hbm>>
    %dma_start3A_142 = tpu.memref_squeeze %dma_start3A_141 : memref<1x26x128xf32, #tpu.memory_space<hbm>> -> memref<26x128xf32, #tpu.memory_space<hbm>>
    %dma_start3A_143 = arith.constant 26 : i32
    %dma_start3A_144 = arith.constant 0 : i32
    %dma_start3A_145 = tpu.memref_slice %arg7[%dma_start3A_143, %dma_start3A_144] : memref<104x128xf32, #tpu.memory_space<vmem>> -> memref<26x128xf32, #tpu.memory_space<vmem>>
    tpu.enqueue_dma source(%dma_start3A_145 : memref<26x128xf32, #tpu.memory_space<vmem>>) target(%dma_start3A_142 : memref<26x128xf32, #tpu.memory_space<hbm>>) target_semaphore(%arg15 : memref<!tpu.dma_semaphore, #tpu.memory_space<semaphore_mem>>)
    %add3A_146 = arith.constant 116 : i32
    %add3A_147 = arith.addi %mul3A_2, %add3A_146 : i32
    %add3A_148 = arith.constant 2 : i32
    %add3A_149 = arith.addi %add3A_147, %add3A_148 : i32
    %dma_start3A_150 = arith.constant 52 : i32
    %dma_start3A_151 = arith.constant 0 : i32
    %dma_start3A_152 = tpu.memref_slice %arg7[%dma_start3A_150, %dma_start3A_151] : memref<104x128xf32, #tpu.memory_space<vmem>> -> memref<26x128xf32, #tpu.memory_space<vmem>>
    %dma_start3A_153 = arith.constant 0 : i32
    %dma_start3A_154 = arith.constant 0 : i32
    %dma_start3A_155 = tpu.memref_slice %arg4[%add3A_149, %dma_start3A_153, %dma_start3A_154] : memref<4096x26x128xf32, #tpu.memory_space<hbm>> -> memref<1x26x128xf32, #tpu.memory_space<hbm>>
    %dma_start3A_156 = tpu.memref_squeeze %dma_start3A_155 : memref<1x26x128xf32, #tpu.memory_space<hbm>> -> memref<26x128xf32, #tpu.memory_space<hbm>>
    %dma_start3A_157 = arith.constant 0 : i32
    %dma_start3A_158 = arith.constant 0 : i32
    %dma_start3A_159 = tpu.memref_slice %arg4[%add3A_149, %dma_start3A_157, %dma_start3A_158] : memref<4096x26x128xf32, #tpu.memory_space<hbm>> -> memref<1x26x128xf32, #tpu.memory_space<hbm>>
    %dma_start3A_160 = tpu.memref_squeeze %dma_start3A_159 : memref<1x26x128xf32, #tpu.memory_space<hbm>> -> memref<26x128xf32, #tpu.memory_space<hbm>>
    %dma_start3A_161 = arith.constant 52 : i32
    %dma_start3A_162 = arith.constant 0 : i32
    %dma_start3A_163 = tpu.memref_slice %arg7[%dma_start3A_161, %dma_start3A_162] : memref<104x128xf32, #tpu.memory_space<vmem>> -> memref<26x128xf32, #tpu.memory_space<vmem>>
    tpu.enqueue_dma source(%dma_start3A_163 : memref<26x128xf32, #tpu.memory_space<vmem>>) target(%dma_start3A_160 : memref<26x128xf32, #tpu.memory_space<hbm>>) target_semaphore(%arg15 : memref<!tpu.dma_semaphore, #tpu.memory_space<semaphore_mem>>)
    %add3A_164 = arith.constant 116 : i32
    %add3A_165 = arith.addi %mul3A_2, %add3A_164 : i32
    %add3A_166 = arith.constant 3 : i32
    %add3A_167 = arith.addi %add3A_165, %add3A_166 : i32
    %dma_start3A_168 = arith.constant 78 : i32
    %dma_start3A_169 = arith.constant 0 : i32
    %dma_start3A_170 = tpu.memref_slice %arg7[%dma_start3A_168, %dma_start3A_169] : memref<104x128xf32, #tpu.memory_space<vmem>> -> memref<26x128xf32, #tpu.memory_space<vmem>>
    %dma_start3A_171 = arith.constant 0 : i32
    %dma_start3A_172 = arith.constant 0 : i32
    %dma_start3A_173 = tpu.memref_slice %arg4[%add3A_167, %dma_start3A_171, %dma_start3A_172] : memref<4096x26x128xf32, #tpu.memory_space<hbm>> -> memref<1x26x128xf32, #tpu.memory_space<hbm>>
    %dma_start3A_174 = tpu.memref_squeeze %dma_start3A_173 : memref<1x26x128xf32, #tpu.memory_space<hbm>> -> memref<26x128xf32, #tpu.memory_space<hbm>>
    %dma_start3A_175 = arith.constant 0 : i32
    %dma_start3A_176 = arith.constant 0 : i32
    %dma_start3A_177 = tpu.memref_slice %arg4[%add3A_167, %dma_start3A_175, %dma_start3A_176] : memref<4096x26x128xf32, #tpu.memory_space<hbm>> -> memref<1x26x128xf32, #tpu.memory_space<hbm>>
    %dma_start3A_178 = tpu.memref_squeeze %dma_start3A_177 : memref<1x26x128xf32, #tpu.memory_space<hbm>> -> memref<26x128xf32, #tpu.memory_space<hbm>>
    %dma_start3A_179 = arith.constant 78 : i32
    %dma_start3A_180 = arith.constant 0 : i32
    %dma_start3A_181 = tpu.memref_slice %arg7[%dma_start3A_179, %dma_start3A_180] : memref<104x128xf32, #tpu.memory_space<vmem>> -> memref<26x128xf32, #tpu.memory_space<vmem>>
    tpu.enqueue_dma source(%dma_start3A_181 : memref<26x128xf32, #tpu.memory_space<vmem>>) target(%dma_start3A_178 : memref<26x128xf32, #tpu.memory_space<hbm>>) target_semaphore(%arg15 : memref<!tpu.dma_semaphore, #tpu.memory_space<semaphore_mem>>)
    %dma_wait3A_182 = arith.constant 3120 : i32
    %dma_wait3A_183 = tpu.memref_slice %arg5[%dma_wait3A_182] : memref<3328xi32, #tpu.memory_space<vmem>> -> memref<104xi32, #tpu.memory_space<vmem>>
    %dma_wait3A_184 = arith.constant 0 : i32
    %dma_wait3A_185 = arith.constant 0 : i32
    %dma_wait3A_186 = tpu.memref_slice %arg3[%dma_wait3A_184, %dma_wait3A_185] : memref<100000x128xf32, #tpu.memory_space<hbm>> -> memref<100000x128xf32, #tpu.memory_space<hbm>>
    tpu.wait_indirect_dma semaphore(%arg12 : memref<!tpu.dma_semaphore, #tpu.memory_space<semaphore_mem>>) src(%dma_wait3A_186 : memref<100000x128xf32, #tpu.memory_space<hbm>>) dst(%arg8 : memref<104x128xf32, #tpu.memory_space<vmem>>)
    %add3A_187 = arith.constant 120 : i32
    %add3A_188 = arith.addi %mul3A_2, %add3A_187 : i32
    %add3A_189 = arith.constant 0 : i32
    %add3A_190 = arith.addi %add3A_188, %add3A_189 : i32
    %dma_start3A_191 = arith.constant 0 : i32
    %dma_start3A_192 = arith.constant 0 : i32
    %dma_start3A_193 = tpu.memref_slice %arg8[%dma_start3A_191, %dma_start3A_192] : memref<104x128xf32, #tpu.memory_space<vmem>> -> memref<26x128xf32, #tpu.memory_space<vmem>>
    %dma_start3A_194 = arith.constant 0 : i32
    %dma_start3A_195 = arith.constant 0 : i32
    %dma_start3A_196 = tpu.memref_slice %arg4[%add3A_190, %dma_start3A_194, %dma_start3A_195] : memref<4096x26x128xf32, #tpu.memory_space<hbm>> -> memref<1x26x128xf32, #tpu.memory_space<hbm>>
    %dma_start3A_197 = tpu.memref_squeeze %dma_start3A_196 : memref<1x26x128xf32, #tpu.memory_space<hbm>> -> memref<26x128xf32, #tpu.memory_space<hbm>>
    %dma_start3A_198 = arith.constant 0 : i32
    %dma_start3A_199 = arith.constant 0 : i32
    %dma_start3A_200 = tpu.memref_slice %arg4[%add3A_190, %dma_start3A_198, %dma_start3A_199] : memref<4096x26x128xf32, #tpu.memory_space<hbm>> -> memref<1x26x128xf32, #tpu.memory_space<hbm>>
    %dma_start3A_201 = tpu.memref_squeeze %dma_start3A_200 : memref<1x26x128xf32, #tpu.memory_space<hbm>> -> memref<26x128xf32, #tpu.memory_space<hbm>>
    %dma_start3A_202 = arith.constant 0 : i32
    %dma_start3A_203 = arith.constant 0 : i32
    %dma_start3A_204 = tpu.memref_slice %arg8[%dma_start3A_202, %dma_start3A_203] : memref<104x128xf32, #tpu.memory_space<vmem>> -> memref<26x128xf32, #tpu.memory_space<vmem>>
    tpu.enqueue_dma source(%dma_start3A_204 : memref<26x128xf32, #tpu.memory_space<vmem>>) target(%dma_start3A_201 : memref<26x128xf32, #tpu.memory_space<hbm>>) target_semaphore(%arg16 : memref<!tpu.dma_semaphore, #tpu.memory_space<semaphore_mem>>)
    %add3A_205 = arith.constant 120 : i32
    %add3A_206 = arith.addi %mul3A_2, %add3A_205 : i32
    %add3A_207 = arith.constant 1 : i32
    %add3A_208 = arith.addi %add3A_206, %add3A_207 : i32
    %dma_start3A_209 = arith.constant 26 : i32
    %dma_start3A_210 = arith.constant 0 : i32
    %dma_start3A_211 = tpu.memref_slice %arg8[%dma_start3A_209, %dma_start3A_210] : memref<104x128xf32, #tpu.memory_space<vmem>> -> memref<26x128xf32, #tpu.memory_space<vmem>>
    %dma_start3A_212 = arith.constant 0 : i32
    %dma_start3A_213 = arith.constant 0 : i32
    %dma_start3A_214 = tpu.memref_slice %arg4[%add3A_208, %dma_start3A_212, %dma_start3A_213] : memref<4096x26x128xf32, #tpu.memory_space<hbm>> -> memref<1x26x128xf32, #tpu.memory_space<hbm>>
    %dma_start3A_215 = tpu.memref_squeeze %dma_start3A_214 : memref<1x26x128xf32, #tpu.memory_space<hbm>> -> memref<26x128xf32, #tpu.memory_space<hbm>>
    %dma_start3A_216 = arith.constant 0 : i32
    %dma_start3A_217 = arith.constant 0 : i32
    %dma_start3A_218 = tpu.memref_slice %arg4[%add3A_208, %dma_start3A_216, %dma_start3A_217] : memref<4096x26x128xf32, #tpu.memory_space<hbm>> -> memref<1x26x128xf32, #tpu.memory_space<hbm>>
    %dma_start3A_219 = tpu.memref_squeeze %dma_start3A_218 : memref<1x26x128xf32, #tpu.memory_space<hbm>> -> memref<26x128xf32, #tpu.memory_space<hbm>>
    %dma_start3A_220 = arith.constant 26 : i32
    %dma_start3A_221 = arith.constant 0 : i32
    %dma_start3A_222 = tpu.memref_slice %arg8[%dma_start3A_220, %dma_start3A_221] : memref<104x128xf32, #tpu.memory_space<vmem>> -> memref<26x128xf32, #tpu.memory_space<vmem>>
    tpu.enqueue_dma source(%dma_start3A_222 : memref<26x128xf32, #tpu.memory_space<vmem>>) target(%dma_start3A_219 : memref<26x128xf32, #tpu.memory_space<hbm>>) target_semaphore(%arg16 : memref<!tpu.dma_semaphore, #tpu.memory_space<semaphore_mem>>)
    %add3A_223 = arith.constant 120 : i32
    %add3A_224 = arith.addi %mul3A_2, %add3A_223 : i32
    %add3A_225 = arith.constant 2 : i32
    %add3A_226 = arith.addi %add3A_224, %add3A_225 : i32
    %dma_start3A_227 = arith.constant 52 : i32
    %dma_start3A_228 = arith.constant 0 : i32
    %dma_start3A_229 = tpu.memref_slice %arg8[%dma_start3A_227, %dma_start3A_228] : memref<104x128xf32, #tpu.memory_space<vmem>> -> memref<26x128xf32, #tpu.memory_space<vmem>>
    %dma_start3A_230 = arith.constant 0 : i32
    %dma_start3A_231 = arith.constant 0 : i32
    %dma_start3A_232 = tpu.memref_slice %arg4[%add3A_226, %dma_start3A_230, %dma_start3A_231] : memref<4096x26x128xf32, #tpu.memory_space<hbm>> -> memref<1x26x128xf32, #tpu.memory_space<hbm>>
    %dma_start3A_233 = tpu.memref_squeeze %dma_start3A_232 : memref<1x26x128xf32, #tpu.memory_space<hbm>> -> memref<26x128xf32, #tpu.memory_space<hbm>>
    %dma_start3A_234 = arith.constant 0 : i32
    %dma_start3A_235 = arith.constant 0 : i32
    %dma_start3A_236 = tpu.memref_slice %arg4[%add3A_226, %dma_start3A_234, %dma_start3A_235] : memref<4096x26x128xf32, #tpu.memory_space<hbm>> -> memref<1x26x128xf32, #tpu.memory_space<hbm>>
    %dma_start3A_237 = tpu.memref_squeeze %dma_start3A_236 : memref<1x26x128xf32, #tpu.memory_space<hbm>> -> memref<26x128xf32, #tpu.memory_space<hbm>>
    %dma_start3A_238 = arith.constant 52 : i32
    %dma_start3A_239 = arith.constant 0 : i32
    %dma_start3A_240 = tpu.memref_slice %arg8[%dma_start3A_238, %dma_start3A_239] : memref<104x128xf32, #tpu.memory_space<vmem>> -> memref<26x128xf32, #tpu.memory_space<vmem>>
    tpu.enqueue_dma source(%dma_start3A_240 : memref<26x128xf32, #tpu.memory_space<vmem>>) target(%dma_start3A_237 : memref<26x128xf32, #tpu.memory_space<hbm>>) target_semaphore(%arg16 : memref<!tpu.dma_semaphore, #tpu.memory_space<semaphore_mem>>)
    %add3A_241 = arith.constant 120 : i32
    %add3A_242 = arith.addi %mul3A_2, %add3A_241 : i32
    %add3A_243 = arith.constant 3 : i32
    %add3A_244 = arith.addi %add3A_242, %add3A_243 : i32
    %dma_start3A_245 = arith.constant 78 : i32
    %dma_start3A_246 = arith.constant 0 : i32
    %dma_start3A_247 = tpu.memref_slice %arg8[%dma_start3A_245, %dma_start3A_246] : memref<104x128xf32, #tpu.memory_space<vmem>> -> memref<26x128xf32, #tpu.memory_space<vmem>>
    %dma_start3A_248 = arith.constant 0 : i32
    %dma_start3A_249 = arith.constant 0 : i32
    %dma_start3A_250 = tpu.memref_slice %arg4[%add3A_244, %dma_start3A_248, %dma_start3A_249] : memref<4096x26x128xf32, #tpu.memory_space<hbm>> -> memref<1x26x128xf32, #tpu.memory_space<hbm>>
    %dma_start3A_251 = tpu.memref_squeeze %dma_start3A_250 : memref<1x26x128xf32, #tpu.memory_space<hbm>> -> memref<26x128xf32, #tpu.memory_space<hbm>>
    %dma_start3A_252 = arith.constant 0 : i32
    %dma_start3A_253 = arith.constant 0 : i32
    %dma_start3A_254 = tpu.memref_slice %arg4[%add3A_244, %dma_start3A_252, %dma_start3A_253] : memref<4096x26x128xf32, #tpu.memory_space<hbm>> -> memref<1x26x128xf32, #tpu.memory_space<hbm>>
    %dma_start3A_255 = tpu.memref_squeeze %dma_start3A_254 : memref<1x26x128xf32, #tpu.memory_space<hbm>> -> memref<26x128xf32, #tpu.memory_space<hbm>>
    %dma_start3A_256 = arith.constant 78 : i32
    %dma_start3A_257 = arith.constant 0 : i32
    %dma_start3A_258 = tpu.memref_slice %arg8[%dma_start3A_256, %dma_start3A_257] : memref<104x128xf32, #tpu.memory_space<vmem>> -> memref<26x128xf32, #tpu.memory_space<vmem>>
    tpu.enqueue_dma source(%dma_start3A_258 : memref<26x128xf32, #tpu.memory_space<vmem>>) target(%dma_start3A_255 : memref<26x128xf32, #tpu.memory_space<hbm>>) target_semaphore(%arg16 : memref<!tpu.dma_semaphore, #tpu.memory_space<semaphore_mem>>)
    %dma_wait3A_259 = arith.constant 3224 : i32
    %dma_wait3A_260 = tpu.memref_slice %arg5[%dma_wait3A_259] : memref<3328xi32, #tpu.memory_space<vmem>> -> memref<104xi32, #tpu.memory_space<vmem>>
    %dma_wait3A_261 = arith.constant 0 : i32
    %dma_wait3A_262 = arith.constant 0 : i32
    %dma_wait3A_263 = tpu.memref_slice %arg3[%dma_wait3A_261, %dma_wait3A_262] : memref<100000x128xf32, #tpu.memory_space<hbm>> -> memref<100000x128xf32, #tpu.memory_space<hbm>>
    tpu.wait_indirect_dma semaphore(%arg13 : memref<!tpu.dma_semaphore, #tpu.memory_space<semaphore_mem>>) src(%dma_wait3A_263 : memref<100000x128xf32, #tpu.memory_space<hbm>>) dst(%arg9 : memref<104x128xf32, #tpu.memory_space<vmem>>)
    %add3A_264 = arith.constant 124 : i32
    %add3A_265 = arith.addi %mul3A_2, %add3A_264 : i32
    %add3A_266 = arith.constant 0 : i32
    %add3A_267 = arith.addi %add3A_265, %add3A_266 : i32
    %dma_start3A_268 = arith.constant 0 : i32
    %dma_start3A_269 = arith.constant 0 : i32
    %dma_start3A_270 = tpu.memref_slice %arg9[%dma_start3A_268, %dma_start3A_269] : memref<104x128xf32, #tpu.memory_space<vmem>> -> memref<26x128xf32, #tpu.memory_space<vmem>>
    %dma_start3A_271 = arith.constant 0 : i32
    %dma_start3A_272 = arith.constant 0 : i32
    %dma_start3A_273 = tpu.memref_slice %arg4[%add3A_267, %dma_start3A_271, %dma_start3A_272] : memref<4096x26x128xf32, #tpu.memory_space<hbm>> -> memref<1x26x128xf32, #tpu.memory_space<hbm>>
    %dma_start3A_274 = tpu.memref_squeeze %dma_start3A_273 : memref<1x26x128xf32, #tpu.memory_space<hbm>> -> memref<26x128xf32, #tpu.memory_space<hbm>>
    %dma_start3A_275 = arith.constant 0 : i32
    %dma_start3A_276 = arith.constant 0 : i32
    %dma_start3A_277 = tpu.memref_slice %arg4[%add3A_267, %dma_start3A_275, %dma_start3A_276] : memref<4096x26x128xf32, #tpu.memory_space<hbm>> -> memref<1x26x128xf32, #tpu.memory_space<hbm>>
    %dma_start3A_278 = tpu.memref_squeeze %dma_start3A_277 : memref<1x26x128xf32, #tpu.memory_space<hbm>> -> memref<26x128xf32, #tpu.memory_space<hbm>>
    %dma_start3A_279 = arith.constant 0 : i32
    %dma_start3A_280 = arith.constant 0 : i32
    %dma_start3A_281 = tpu.memref_slice %arg9[%dma_start3A_279, %dma_start3A_280] : memref<104x128xf32, #tpu.memory_space<vmem>> -> memref<26x128xf32, #tpu.memory_space<vmem>>
    tpu.enqueue_dma source(%dma_start3A_281 : memref<26x128xf32, #tpu.memory_space<vmem>>) target(%dma_start3A_278 : memref<26x128xf32, #tpu.memory_space<hbm>>) target_semaphore(%arg17 : memref<!tpu.dma_semaphore, #tpu.memory_space<semaphore_mem>>)
    %add3A_282 = arith.constant 124 : i32
    %add3A_283 = arith.addi %mul3A_2, %add3A_282 : i32
    %add3A_284 = arith.constant 1 : i32
    %add3A_285 = arith.addi %add3A_283, %add3A_284 : i32
    %dma_start3A_286 = arith.constant 26 : i32
    %dma_start3A_287 = arith.constant 0 : i32
    %dma_start3A_288 = tpu.memref_slice %arg9[%dma_start3A_286, %dma_start3A_287] : memref<104x128xf32, #tpu.memory_space<vmem>> -> memref<26x128xf32, #tpu.memory_space<vmem>>
    %dma_start3A_289 = arith.constant 0 : i32
    %dma_start3A_290 = arith.constant 0 : i32
    %dma_start3A_291 = tpu.memref_slice %arg4[%add3A_285, %dma_start3A_289, %dma_start3A_290] : memref<4096x26x128xf32, #tpu.memory_space<hbm>> -> memref<1x26x128xf32, #tpu.memory_space<hbm>>
    %dma_start3A_292 = tpu.memref_squeeze %dma_start3A_291 : memref<1x26x128xf32, #tpu.memory_space<hbm>> -> memref<26x128xf32, #tpu.memory_space<hbm>>
    %dma_start3A_293 = arith.constant 0 : i32
    %dma_start3A_294 = arith.constant 0 : i32
    %dma_start3A_295 = tpu.memref_slice %arg4[%add3A_285, %dma_start3A_293, %dma_start3A_294] : memref<4096x26x128xf32, #tpu.memory_space<hbm>> -> memref<1x26x128xf32, #tpu.memory_space<hbm>>
    %dma_start3A_296 = tpu.memref_squeeze %dma_start3A_295 : memref<1x26x128xf32, #tpu.memory_space<hbm>> -> memref<26x128xf32, #tpu.memory_space<hbm>>
    %dma_start3A_297 = arith.constant 26 : i32
    %dma_start3A_298 = arith.constant 0 : i32
    %dma_start3A_299 = tpu.memref_slice %arg9[%dma_start3A_297, %dma_start3A_298] : memref<104x128xf32, #tpu.memory_space<vmem>> -> memref<26x128xf32, #tpu.memory_space<vmem>>
    tpu.enqueue_dma source(%dma_start3A_299 : memref<26x128xf32, #tpu.memory_space<vmem>>) target(%dma_start3A_296 : memref<26x128xf32, #tpu.memory_space<hbm>>) target_semaphore(%arg17 : memref<!tpu.dma_semaphore, #tpu.memory_space<semaphore_mem>>)
    %add3A_300 = arith.constant 124 : i32
    %add3A_301 = arith.addi %mul3A_2, %add3A_300 : i32
    %add3A_302 = arith.constant 2 : i32
    %add3A_303 = arith.addi %add3A_301, %add3A_302 : i32
    %dma_start3A_304 = arith.constant 52 : i32
    %dma_start3A_305 = arith.constant 0 : i32
    %dma_start3A_306 = tpu.memref_slice %arg9[%dma_start3A_304, %dma_start3A_305] : memref<104x128xf32, #tpu.memory_space<vmem>> -> memref<26x128xf32, #tpu.memory_space<vmem>>
    %dma_start3A_307 = arith.constant 0 : i32
    %dma_start3A_308 = arith.constant 0 : i32
    %dma_start3A_309 = tpu.memref_slice %arg4[%add3A_303, %dma_start3A_307, %dma_start3A_308] : memref<4096x26x128xf32, #tpu.memory_space<hbm>> -> memref<1x26x128xf32, #tpu.memory_space<hbm>>
    %dma_start3A_310 = tpu.memref_squeeze %dma_start3A_309 : memref<1x26x128xf32, #tpu.memory_space<hbm>> -> memref<26x128xf32, #tpu.memory_space<hbm>>
    %dma_start3A_311 = arith.constant 0 : i32
    %dma_start3A_312 = arith.constant 0 : i32
    %dma_start3A_313 = tpu.memref_slice %arg4[%add3A_303, %dma_start3A_311, %dma_start3A_312] : memref<4096x26x128xf32, #tpu.memory_space<hbm>> -> memref<1x26x128xf32, #tpu.memory_space<hbm>>
    %dma_start3A_314 = tpu.memref_squeeze %dma_start3A_313 : memref<1x26x128xf32, #tpu.memory_space<hbm>> -> memref<26x128xf32, #tpu.memory_space<hbm>>
    %dma_start3A_315 = arith.constant 52 : i32
    %dma_start3A_316 = arith.constant 0 : i32
    %dma_start3A_317 = tpu.memref_slice %arg9[%dma_start3A_315, %dma_start3A_316] : memref<104x128xf32, #tpu.memory_space<vmem>> -> memref<26x128xf32, #tpu.memory_space<vmem>>
    tpu.enqueue_dma source(%dma_start3A_317 : memref<26x128xf32, #tpu.memory_space<vmem>>) target(%dma_start3A_314 : memref<26x128xf32, #tpu.memory_space<hbm>>) target_semaphore(%arg17 : memref<!tpu.dma_semaphore, #tpu.memory_space<semaphore_mem>>)
    %add3A_318 = arith.constant 124 : i32
    %add3A_319 = arith.addi %mul3A_2, %add3A_318 : i32
    %add3A_320 = arith.constant 3 : i32
    %add3A_321 = arith.addi %add3A_319, %add3A_320 : i32
    %dma_start3A_322 = arith.constant 78 : i32
    %dma_start3A_323 = arith.constant 0 : i32
    %dma_start3A_324 = tpu.memref_slice %arg9[%dma_start3A_322, %dma_start3A_323] : memref<104x128xf32, #tpu.memory_space<vmem>> -> memref<26x128xf32, #tpu.memory_space<vmem>>
    %dma_start3A_325 = arith.constant 0 : i32
    %dma_start3A_326 = arith.constant 0 : i32
    %dma_start3A_327 = tpu.memref_slice %arg4[%add3A_321, %dma_start3A_325, %dma_start3A_326] : memref<4096x26x128xf32, #tpu.memory_space<hbm>> -> memref<1x26x128xf32, #tpu.memory_space<hbm>>
    %dma_start3A_328 = tpu.memref_squeeze %dma_start3A_327 : memref<1x26x128xf32, #tpu.memory_space<hbm>> -> memref<26x128xf32, #tpu.memory_space<hbm>>
    %dma_start3A_329 = arith.constant 0 : i32
    %dma_start3A_330 = arith.constant 0 : i32
    %dma_start3A_331 = tpu.memref_slice %arg4[%add3A_321, %dma_start3A_329, %dma_start3A_330] : memref<4096x26x128xf32, #tpu.memory_space<hbm>> -> memref<1x26x128xf32, #tpu.memory_space<hbm>>
    %dma_start3A_332 = tpu.memref_squeeze %dma_start3A_331 : memref<1x26x128xf32, #tpu.memory_space<hbm>> -> memref<26x128xf32, #tpu.memory_space<hbm>>
    %dma_start3A_333 = arith.constant 78 : i32
    %dma_start3A_334 = arith.constant 0 : i32
    %dma_start3A_335 = tpu.memref_slice %arg9[%dma_start3A_333, %dma_start3A_334] : memref<104x128xf32, #tpu.memory_space<vmem>> -> memref<26x128xf32, #tpu.memory_space<vmem>>
    tpu.enqueue_dma source(%dma_start3A_335 : memref<26x128xf32, #tpu.memory_space<vmem>>) target(%dma_start3A_332 : memref<26x128xf32, #tpu.memory_space<hbm>>) target_semaphore(%arg17 : memref<!tpu.dma_semaphore, #tpu.memory_space<semaphore_mem>>)
    %add3A_336 = arith.constant 112 : i32
    %add3A_337 = arith.addi %mul3A_2, %add3A_336 : i32
    %add3A_338 = arith.constant 0 : i32
    %add3A_339 = arith.addi %add3A_337, %add3A_338 : i32
    %dma_wait3A_340 = arith.constant 0 : i32
    %dma_wait3A_341 = arith.constant 0 : i32
    %dma_wait3A_342 = tpu.memref_slice %arg6[%dma_wait3A_340, %dma_wait3A_341] : memref<104x128xf32, #tpu.memory_space<vmem>> -> memref<26x128xf32, #tpu.memory_space<vmem>>
    %dma_wait3A_343 = arith.constant 0 : i32
    %dma_wait3A_344 = arith.constant 0 : i32
    %dma_wait3A_345 = tpu.memref_slice %arg4[%add3A_339, %dma_wait3A_343, %dma_wait3A_344] : memref<4096x26x128xf32, #tpu.memory_space<hbm>> -> memref<1x26x128xf32, #tpu.memory_space<hbm>>
    %dma_wait3A_346 = tpu.memref_squeeze %dma_wait3A_345 : memref<1x26x128xf32, #tpu.memory_space<hbm>> -> memref<26x128xf32, #tpu.memory_space<hbm>>
    %dma_wait3A_347 = arith.constant 0 : i32
    %dma_wait3A_348 = arith.constant 0 : i32
    %dma_wait3A_349 = tpu.memref_slice %arg4[%add3A_339, %dma_wait3A_347, %dma_wait3A_348] : memref<4096x26x128xf32, #tpu.memory_space<hbm>> -> memref<1x26x128xf32, #tpu.memory_space<hbm>>
    %dma_wait3A_350 = tpu.memref_squeeze %dma_wait3A_349 : memref<1x26x128xf32, #tpu.memory_space<hbm>> -> memref<26x128xf32, #tpu.memory_space<hbm>>
    %dma_wait3A_351 = arith.constant 0 : i32
    %dma_wait3A_352 = arith.constant 0 : i32
    %dma_wait3A_353 = tpu.memref_slice %arg6[%dma_wait3A_351, %dma_wait3A_352] : memref<104x128xf32, #tpu.memory_space<vmem>> -> memref<26x128xf32, #tpu.memory_space<vmem>>
    tpu.wait_dma2 semaphore(%arg14 : memref<!tpu.dma_semaphore, #tpu.memory_space<semaphore_mem>>) src(%dma_wait3A_353 : memref<26x128xf32, #tpu.memory_space<vmem>>) dst(%dma_wait3A_350 : memref<26x128xf32, #tpu.memory_space<hbm>>)
    %add3A_354 = arith.constant 112 : i32
    %add3A_355 = arith.addi %mul3A_2, %add3A_354 : i32
    %add3A_356 = arith.constant 1 : i32
    %add3A_357 = arith.addi %add3A_355, %add3A_356 : i32
    %dma_wait3A_358 = arith.constant 26 : i32
    %dma_wait3A_359 = arith.constant 0 : i32
    %dma_wait3A_360 = tpu.memref_slice %arg6[%dma_wait3A_358, %dma_wait3A_359] : memref<104x128xf32, #tpu.memory_space<vmem>> -> memref<26x128xf32, #tpu.memory_space<vmem>>
    %dma_wait3A_361 = arith.constant 0 : i32
    %dma_wait3A_362 = arith.constant 0 : i32
    %dma_wait3A_363 = tpu.memref_slice %arg4[%add3A_357, %dma_wait3A_361, %dma_wait3A_362] : memref<4096x26x128xf32, #tpu.memory_space<hbm>> -> memref<1x26x128xf32, #tpu.memory_space<hbm>>
    %dma_wait3A_364 = tpu.memref_squeeze %dma_wait3A_363 : memref<1x26x128xf32, #tpu.memory_space<hbm>> -> memref<26x128xf32, #tpu.memory_space<hbm>>
    %dma_wait3A_365 = arith.constant 0 : i32
    %dma_wait3A_366 = arith.constant 0 : i32
    %dma_wait3A_367 = tpu.memref_slice %arg4[%add3A_357, %dma_wait3A_365, %dma_wait3A_366] : memref<4096x26x128xf32, #tpu.memory_space<hbm>> -> memref<1x26x128xf32, #tpu.memory_space<hbm>>
    %dma_wait3A_368 = tpu.memref_squeeze %dma_wait3A_367 : memref<1x26x128xf32, #tpu.memory_space<hbm>> -> memref<26x128xf32, #tpu.memory_space<hbm>>
    %dma_wait3A_369 = arith.constant 26 : i32
    %dma_wait3A_370 = arith.constant 0 : i32
    %dma_wait3A_371 = tpu.memref_slice %arg6[%dma_wait3A_369, %dma_wait3A_370] : memref<104x128xf32, #tpu.memory_space<vmem>> -> memref<26x128xf32, #tpu.memory_space<vmem>>
    tpu.wait_dma2 semaphore(%arg14 : memref<!tpu.dma_semaphore, #tpu.memory_space<semaphore_mem>>) src(%dma_wait3A_371 : memref<26x128xf32, #tpu.memory_space<vmem>>) dst(%dma_wait3A_368 : memref<26x128xf32, #tpu.memory_space<hbm>>)
    %add3A_372 = arith.constant 112 : i32
    %add3A_373 = arith.addi %mul3A_2, %add3A_372 : i32
    %add3A_374 = arith.constant 2 : i32
    %add3A_375 = arith.addi %add3A_373, %add3A_374 : i32
    %dma_wait3A_376 = arith.constant 52 : i32
    %dma_wait3A_377 = arith.constant 0 : i32
    %dma_wait3A_378 = tpu.memref_slice %arg6[%dma_wait3A_376, %dma_wait3A_377] : memref<104x128xf32, #tpu.memory_space<vmem>> -> memref<26x128xf32, #tpu.memory_space<vmem>>
    %dma_wait3A_379 = arith.constant 0 : i32
    %dma_wait3A_380 = arith.constant 0 : i32
    %dma_wait3A_381 = tpu.memref_slice %arg4[%add3A_375, %dma_wait3A_379, %dma_wait3A_380] : memref<4096x26x128xf32, #tpu.memory_space<hbm>> -> memref<1x26x128xf32, #tpu.memory_space<hbm>>
    %dma_wait3A_382 = tpu.memref_squeeze %dma_wait3A_381 : memref<1x26x128xf32, #tpu.memory_space<hbm>> -> memref<26x128xf32, #tpu.memory_space<hbm>>
    %dma_wait3A_383 = arith.constant 0 : i32
    %dma_wait3A_384 = arith.constant 0 : i32
    %dma_wait3A_385 = tpu.memref_slice %arg4[%add3A_375, %dma_wait3A_383, %dma_wait3A_384] : memref<4096x26x128xf32, #tpu.memory_space<hbm>> -> memref<1x26x128xf32, #tpu.memory_space<hbm>>
    %dma_wait3A_386 = tpu.memref_squeeze %dma_wait3A_385 : memref<1x26x128xf32, #tpu.memory_space<hbm>> -> memref<26x128xf32, #tpu.memory_space<hbm>>
    %dma_wait3A_387 = arith.constant 52 : i32
    %dma_wait3A_388 = arith.constant 0 : i32
    %dma_wait3A_389 = tpu.memref_slice %arg6[%dma_wait3A_387, %dma_wait3A_388] : memref<104x128xf32, #tpu.memory_space<vmem>> -> memref<26x128xf32, #tpu.memory_space<vmem>>
    tpu.wait_dma2 semaphore(%arg14 : memref<!tpu.dma_semaphore, #tpu.memory_space<semaphore_mem>>) src(%dma_wait3A_389 : memref<26x128xf32, #tpu.memory_space<vmem>>) dst(%dma_wait3A_386 : memref<26x128xf32, #tpu.memory_space<hbm>>)
    %add3A_390 = arith.constant 112 : i32
    %add3A_391 = arith.addi %mul3A_2, %add3A_390 : i32
    %add3A_392 = arith.constant 3 : i32
    %add3A_393 = arith.addi %add3A_391, %add3A_392 : i32
    %dma_wait3A_394 = arith.constant 78 : i32
    %dma_wait3A_395 = arith.constant 0 : i32
    %dma_wait3A_396 = tpu.memref_slice %arg6[%dma_wait3A_394, %dma_wait3A_395] : memref<104x128xf32, #tpu.memory_space<vmem>> -> memref<26x128xf32, #tpu.memory_space<vmem>>
    %dma_wait3A_397 = arith.constant 0 : i32
    %dma_wait3A_398 = arith.constant 0 : i32
    %dma_wait3A_399 = tpu.memref_slice %arg4[%add3A_393, %dma_wait3A_397, %dma_wait3A_398] : memref<4096x26x128xf32, #tpu.memory_space<hbm>> -> memref<1x26x128xf32, #tpu.memory_space<hbm>>
    %dma_wait3A_400 = tpu.memref_squeeze %dma_wait3A_399 : memref<1x26x128xf32, #tpu.memory_space<hbm>> -> memref<26x128xf32, #tpu.memory_space<hbm>>
    %dma_wait3A_401 = arith.constant 0 : i32
    %dma_wait3A_402 = arith.constant 0 : i32
    %dma_wait3A_403 = tpu.memref_slice %arg4[%add3A_393, %dma_wait3A_401, %dma_wait3A_402] : memref<4096x26x128xf32, #tpu.memory_space<hbm>> -> memref<1x26x128xf32, #tpu.memory_space<hbm>>
    %dma_wait3A_404 = tpu.memref_squeeze %dma_wait3A_403 : memref<1x26x128xf32, #tpu.memory_space<hbm>> -> memref<26x128xf32, #tpu.memory_space<hbm>>
    %dma_wait3A_405 = arith.constant 78 : i32
    %dma_wait3A_406 = arith.constant 0 : i32
    %dma_wait3A_407 = tpu.memref_slice %arg6[%dma_wait3A_405, %dma_wait3A_406] : memref<104x128xf32, #tpu.memory_space<vmem>> -> memref<26x128xf32, #tpu.memory_space<vmem>>
    tpu.wait_dma2 semaphore(%arg14 : memref<!tpu.dma_semaphore, #tpu.memory_space<semaphore_mem>>) src(%dma_wait3A_407 : memref<26x128xf32, #tpu.memory_space<vmem>>) dst(%dma_wait3A_404 : memref<26x128xf32, #tpu.memory_space<hbm>>)
    %add3A_408 = arith.constant 116 : i32
    %add3A_409 = arith.addi %mul3A_2, %add3A_408 : i32
    %add3A_410 = arith.constant 0 : i32
    %add3A_411 = arith.addi %add3A_409, %add3A_410 : i32
    %dma_wait3A_412 = arith.constant 0 : i32
    %dma_wait3A_413 = arith.constant 0 : i32
    %dma_wait3A_414 = tpu.memref_slice %arg7[%dma_wait3A_412, %dma_wait3A_413] : memref<104x128xf32, #tpu.memory_space<vmem>> -> memref<26x128xf32, #tpu.memory_space<vmem>>
    %dma_wait3A_415 = arith.constant 0 : i32
    %dma_wait3A_416 = arith.constant 0 : i32
    %dma_wait3A_417 = tpu.memref_slice %arg4[%add3A_411, %dma_wait3A_415, %dma_wait3A_416] : memref<4096x26x128xf32, #tpu.memory_space<hbm>> -> memref<1x26x128xf32, #tpu.memory_space<hbm>>
    %dma_wait3A_418 = tpu.memref_squeeze %dma_wait3A_417 : memref<1x26x128xf32, #tpu.memory_space<hbm>> -> memref<26x128xf32, #tpu.memory_space<hbm>>
    %dma_wait3A_419 = arith.constant 0 : i32
    %dma_wait3A_420 = arith.constant 0 : i32
    %dma_wait3A_421 = tpu.memref_slice %arg4[%add3A_411, %dma_wait3A_419, %dma_wait3A_420] : memref<4096x26x128xf32, #tpu.memory_space<hbm>> -> memref<1x26x128xf32, #tpu.memory_space<hbm>>
    %dma_wait3A_422 = tpu.memref_squeeze %dma_wait3A_421 : memref<1x26x128xf32, #tpu.memory_space<hbm>> -> memref<26x128xf32, #tpu.memory_space<hbm>>
    %dma_wait3A_423 = arith.constant 0 : i32
    %dma_wait3A_424 = arith.constant 0 : i32
    %dma_wait3A_425 = tpu.memref_slice %arg7[%dma_wait3A_423, %dma_wait3A_424] : memref<104x128xf32, #tpu.memory_space<vmem>> -> memref<26x128xf32, #tpu.memory_space<vmem>>
    tpu.wait_dma2 semaphore(%arg15 : memref<!tpu.dma_semaphore, #tpu.memory_space<semaphore_mem>>) src(%dma_wait3A_425 : memref<26x128xf32, #tpu.memory_space<vmem>>) dst(%dma_wait3A_422 : memref<26x128xf32, #tpu.memory_space<hbm>>)
    %add3A_426 = arith.constant 116 : i32
    %add3A_427 = arith.addi %mul3A_2, %add3A_426 : i32
    %add3A_428 = arith.constant 1 : i32
    %add3A_429 = arith.addi %add3A_427, %add3A_428 : i32
    %dma_wait3A_430 = arith.constant 26 : i32
    %dma_wait3A_431 = arith.constant 0 : i32
    %dma_wait3A_432 = tpu.memref_slice %arg7[%dma_wait3A_430, %dma_wait3A_431] : memref<104x128xf32, #tpu.memory_space<vmem>> -> memref<26x128xf32, #tpu.memory_space<vmem>>
    %dma_wait3A_433 = arith.constant 0 : i32
    %dma_wait3A_434 = arith.constant 0 : i32
    %dma_wait3A_435 = tpu.memref_slice %arg4[%add3A_429, %dma_wait3A_433, %dma_wait3A_434] : memref<4096x26x128xf32, #tpu.memory_space<hbm>> -> memref<1x26x128xf32, #tpu.memory_space<hbm>>
    %dma_wait3A_436 = tpu.memref_squeeze %dma_wait3A_435 : memref<1x26x128xf32, #tpu.memory_space<hbm>> -> memref<26x128xf32, #tpu.memory_space<hbm>>
    %dma_wait3A_437 = arith.constant 0 : i32
    %dma_wait3A_438 = arith.constant 0 : i32
    %dma_wait3A_439 = tpu.memref_slice %arg4[%add3A_429, %dma_wait3A_437, %dma_wait3A_438] : memref<4096x26x128xf32, #tpu.memory_space<hbm>> -> memref<1x26x128xf32, #tpu.memory_space<hbm>>
    %dma_wait3A_440 = tpu.memref_squeeze %dma_wait3A_439 : memref<1x26x128xf32, #tpu.memory_space<hbm>> -> memref<26x128xf32, #tpu.memory_space<hbm>>
    %dma_wait3A_441 = arith.constant 26 : i32
    %dma_wait3A_442 = arith.constant 0 : i32
    %dma_wait3A_443 = tpu.memref_slice %arg7[%dma_wait3A_441, %dma_wait3A_442] : memref<104x128xf32, #tpu.memory_space<vmem>> -> memref<26x128xf32, #tpu.memory_space<vmem>>
    tpu.wait_dma2 semaphore(%arg15 : memref<!tpu.dma_semaphore, #tpu.memory_space<semaphore_mem>>) src(%dma_wait3A_443 : memref<26x128xf32, #tpu.memory_space<vmem>>) dst(%dma_wait3A_440 : memref<26x128xf32, #tpu.memory_space<hbm>>)
    %add3A_444 = arith.constant 116 : i32
    %add3A_445 = arith.addi %mul3A_2, %add3A_444 : i32
    %add3A_446 = arith.constant 2 : i32
    %add3A_447 = arith.addi %add3A_445, %add3A_446 : i32
    %dma_wait3A_448 = arith.constant 52 : i32
    %dma_wait3A_449 = arith.constant 0 : i32
    %dma_wait3A_450 = tpu.memref_slice %arg7[%dma_wait3A_448, %dma_wait3A_449] : memref<104x128xf32, #tpu.memory_space<vmem>> -> memref<26x128xf32, #tpu.memory_space<vmem>>
    %dma_wait3A_451 = arith.constant 0 : i32
    %dma_wait3A_452 = arith.constant 0 : i32
    %dma_wait3A_453 = tpu.memref_slice %arg4[%add3A_447, %dma_wait3A_451, %dma_wait3A_452] : memref<4096x26x128xf32, #tpu.memory_space<hbm>> -> memref<1x26x128xf32, #tpu.memory_space<hbm>>
    %dma_wait3A_454 = tpu.memref_squeeze %dma_wait3A_453 : memref<1x26x128xf32, #tpu.memory_space<hbm>> -> memref<26x128xf32, #tpu.memory_space<hbm>>
    %dma_wait3A_455 = arith.constant 0 : i32
    %dma_wait3A_456 = arith.constant 0 : i32
    %dma_wait3A_457 = tpu.memref_slice %arg4[%add3A_447, %dma_wait3A_455, %dma_wait3A_456] : memref<4096x26x128xf32, #tpu.memory_space<hbm>> -> memref<1x26x128xf32, #tpu.memory_space<hbm>>
    %dma_wait3A_458 = tpu.memref_squeeze %dma_wait3A_457 : memref<1x26x128xf32, #tpu.memory_space<hbm>> -> memref<26x128xf32, #tpu.memory_space<hbm>>
    %dma_wait3A_459 = arith.constant 52 : i32
    %dma_wait3A_460 = arith.constant 0 : i32
    %dma_wait3A_461 = tpu.memref_slice %arg7[%dma_wait3A_459, %dma_wait3A_460] : memref<104x128xf32, #tpu.memory_space<vmem>> -> memref<26x128xf32, #tpu.memory_space<vmem>>
    tpu.wait_dma2 semaphore(%arg15 : memref<!tpu.dma_semaphore, #tpu.memory_space<semaphore_mem>>) src(%dma_wait3A_461 : memref<26x128xf32, #tpu.memory_space<vmem>>) dst(%dma_wait3A_458 : memref<26x128xf32, #tpu.memory_space<hbm>>)
    %add3A_462 = arith.constant 116 : i32
    %add3A_463 = arith.addi %mul3A_2, %add3A_462 : i32
    %add3A_464 = arith.constant 3 : i32
    %add3A_465 = arith.addi %add3A_463, %add3A_464 : i32
    %dma_wait3A_466 = arith.constant 78 : i32
    %dma_wait3A_467 = arith.constant 0 : i32
    %dma_wait3A_468 = tpu.memref_slice %arg7[%dma_wait3A_466, %dma_wait3A_467] : memref<104x128xf32, #tpu.memory_space<vmem>> -> memref<26x128xf32, #tpu.memory_space<vmem>>
    %dma_wait3A_469 = arith.constant 0 : i32
    %dma_wait3A_470 = arith.constant 0 : i32
    %dma_wait3A_471 = tpu.memref_slice %arg4[%add3A_465, %dma_wait3A_469, %dma_wait3A_470] : memref<4096x26x128xf32, #tpu.memory_space<hbm>> -> memref<1x26x128xf32, #tpu.memory_space<hbm>>
    %dma_wait3A_472 = tpu.memref_squeeze %dma_wait3A_471 : memref<1x26x128xf32, #tpu.memory_space<hbm>> -> memref<26x128xf32, #tpu.memory_space<hbm>>
    %dma_wait3A_473 = arith.constant 0 : i32
    %dma_wait3A_474 = arith.constant 0 : i32
    %dma_wait3A_475 = tpu.memref_slice %arg4[%add3A_465, %dma_wait3A_473, %dma_wait3A_474] : memref<4096x26x128xf32, #tpu.memory_space<hbm>> -> memref<1x26x128xf32, #tpu.memory_space<hbm>>
    %dma_wait3A_476 = tpu.memref_squeeze %dma_wait3A_475 : memref<1x26x128xf32, #tpu.memory_space<hbm>> -> memref<26x128xf32, #tpu.memory_space<hbm>>
    %dma_wait3A_477 = arith.constant 78 : i32
    %dma_wait3A_478 = arith.constant 0 : i32
    %dma_wait3A_479 = tpu.memref_slice %arg7[%dma_wait3A_477, %dma_wait3A_478] : memref<104x128xf32, #tpu.memory_space<vmem>> -> memref<26x128xf32, #tpu.memory_space<vmem>>
    tpu.wait_dma2 semaphore(%arg15 : memref<!tpu.dma_semaphore, #tpu.memory_space<semaphore_mem>>) src(%dma_wait3A_479 : memref<26x128xf32, #tpu.memory_space<vmem>>) dst(%dma_wait3A_476 : memref<26x128xf32, #tpu.memory_space<hbm>>)
    %add3A_480 = arith.constant 120 : i32
    %add3A_481 = arith.addi %mul3A_2, %add3A_480 : i32
    %add3A_482 = arith.constant 0 : i32
    %add3A_483 = arith.addi %add3A_481, %add3A_482 : i32
    %dma_wait3A_484 = arith.constant 0 : i32
    %dma_wait3A_485 = arith.constant 0 : i32
    %dma_wait3A_486 = tpu.memref_slice %arg8[%dma_wait3A_484, %dma_wait3A_485] : memref<104x128xf32, #tpu.memory_space<vmem>> -> memref<26x128xf32, #tpu.memory_space<vmem>>
    %dma_wait3A_487 = arith.constant 0 : i32
    %dma_wait3A_488 = arith.constant 0 : i32
    %dma_wait3A_489 = tpu.memref_slice %arg4[%add3A_483, %dma_wait3A_487, %dma_wait3A_488] : memref<4096x26x128xf32, #tpu.memory_space<hbm>> -> memref<1x26x128xf32, #tpu.memory_space<hbm>>
    %dma_wait3A_490 = tpu.memref_squeeze %dma_wait3A_489 : memref<1x26x128xf32, #tpu.memory_space<hbm>> -> memref<26x128xf32, #tpu.memory_space<hbm>>
    %dma_wait3A_491 = arith.constant 0 : i32
    %dma_wait3A_492 = arith.constant 0 : i32
    %dma_wait3A_493 = tpu.memref_slice %arg4[%add3A_483, %dma_wait3A_491, %dma_wait3A_492] : memref<4096x26x128xf32, #tpu.memory_space<hbm>> -> memref<1x26x128xf32, #tpu.memory_space<hbm>>
    %dma_wait3A_494 = tpu.memref_squeeze %dma_wait3A_493 : memref<1x26x128xf32, #tpu.memory_space<hbm>> -> memref<26x128xf32, #tpu.memory_space<hbm>>
    %dma_wait3A_495 = arith.constant 0 : i32
    %dma_wait3A_496 = arith.constant 0 : i32
    %dma_wait3A_497 = tpu.memref_slice %arg8[%dma_wait3A_495, %dma_wait3A_496] : memref<104x128xf32, #tpu.memory_space<vmem>> -> memref<26x128xf32, #tpu.memory_space<vmem>>
    tpu.wait_dma2 semaphore(%arg16 : memref<!tpu.dma_semaphore, #tpu.memory_space<semaphore_mem>>) src(%dma_wait3A_497 : memref<26x128xf32, #tpu.memory_space<vmem>>) dst(%dma_wait3A_494 : memref<26x128xf32, #tpu.memory_space<hbm>>)
    %add3A_498 = arith.constant 120 : i32
    %add3A_499 = arith.addi %mul3A_2, %add3A_498 : i32
    %add3A_500 = arith.constant 1 : i32
    %add3A_501 = arith.addi %add3A_499, %add3A_500 : i32
    %dma_wait3A_502 = arith.constant 26 : i32
    %dma_wait3A_503 = arith.constant 0 : i32
    %dma_wait3A_504 = tpu.memref_slice %arg8[%dma_wait3A_502, %dma_wait3A_503] : memref<104x128xf32, #tpu.memory_space<vmem>> -> memref<26x128xf32, #tpu.memory_space<vmem>>
    %dma_wait3A_505 = arith.constant 0 : i32
    %dma_wait3A_506 = arith.constant 0 : i32
    %dma_wait3A_507 = tpu.memref_slice %arg4[%add3A_501, %dma_wait3A_505, %dma_wait3A_506] : memref<4096x26x128xf32, #tpu.memory_space<hbm>> -> memref<1x26x128xf32, #tpu.memory_space<hbm>>
    %dma_wait3A_508 = tpu.memref_squeeze %dma_wait3A_507 : memref<1x26x128xf32, #tpu.memory_space<hbm>> -> memref<26x128xf32, #tpu.memory_space<hbm>>
    %dma_wait3A_509 = arith.constant 0 : i32
    %dma_wait3A_510 = arith.constant 0 : i32
    %dma_wait3A_511 = tpu.memref_slice %arg4[%add3A_501, %dma_wait3A_509, %dma_wait3A_510] : memref<4096x26x128xf32, #tpu.memory_space<hbm>> -> memref<1x26x128xf32, #tpu.memory_space<hbm>>
    %dma_wait3A_512 = tpu.memref_squeeze %dma_wait3A_511 : memref<1x26x128xf32, #tpu.memory_space<hbm>> -> memref<26x128xf32, #tpu.memory_space<hbm>>
    %dma_wait3A_513 = arith.constant 26 : i32
    %dma_wait3A_514 = arith.constant 0 : i32
    %dma_wait3A_515 = tpu.memref_slice %arg8[%dma_wait3A_513, %dma_wait3A_514] : memref<104x128xf32, #tpu.memory_space<vmem>> -> memref<26x128xf32, #tpu.memory_space<vmem>>
    tpu.wait_dma2 semaphore(%arg16 : memref<!tpu.dma_semaphore, #tpu.memory_space<semaphore_mem>>) src(%dma_wait3A_515 : memref<26x128xf32, #tpu.memory_space<vmem>>) dst(%dma_wait3A_512 : memref<26x128xf32, #tpu.memory_space<hbm>>)
    %add3A_516 = arith.constant 120 : i32
    %add3A_517 = arith.addi %mul3A_2, %add3A_516 : i32
    %add3A_518 = arith.constant 2 : i32
    %add3A_519 = arith.addi %add3A_517, %add3A_518 : i32
    %dma_wait3A_520 = arith.constant 52 : i32
    %dma_wait3A_521 = arith.constant 0 : i32
    %dma_wait3A_522 = tpu.memref_slice %arg8[%dma_wait3A_520, %dma_wait3A_521] : memref<104x128xf32, #tpu.memory_space<vmem>> -> memref<26x128xf32, #tpu.memory_space<vmem>>
    %dma_wait3A_523 = arith.constant 0 : i32
    %dma_wait3A_524 = arith.constant 0 : i32
    %dma_wait3A_525 = tpu.memref_slice %arg4[%add3A_519, %dma_wait3A_523, %dma_wait3A_524] : memref<4096x26x128xf32, #tpu.memory_space<hbm>> -> memref<1x26x128xf32, #tpu.memory_space<hbm>>
    %dma_wait3A_526 = tpu.memref_squeeze %dma_wait3A_525 : memref<1x26x128xf32, #tpu.memory_space<hbm>> -> memref<26x128xf32, #tpu.memory_space<hbm>>
    %dma_wait3A_527 = arith.constant 0 : i32
    %dma_wait3A_528 = arith.constant 0 : i32
    %dma_wait3A_529 = tpu.memref_slice %arg4[%add3A_519, %dma_wait3A_527, %dma_wait3A_528] : memref<4096x26x128xf32, #tpu.memory_space<hbm>> -> memref<1x26x128xf32, #tpu.memory_space<hbm>>
    %dma_wait3A_530 = tpu.memref_squeeze %dma_wait3A_529 : memref<1x26x128xf32, #tpu.memory_space<hbm>> -> memref<26x128xf32, #tpu.memory_space<hbm>>
    %dma_wait3A_531 = arith.constant 52 : i32
    %dma_wait3A_532 = arith.constant 0 : i32
    %dma_wait3A_533 = tpu.memref_slice %arg8[%dma_wait3A_531, %dma_wait3A_532] : memref<104x128xf32, #tpu.memory_space<vmem>> -> memref<26x128xf32, #tpu.memory_space<vmem>>
    tpu.wait_dma2 semaphore(%arg16 : memref<!tpu.dma_semaphore, #tpu.memory_space<semaphore_mem>>) src(%dma_wait3A_533 : memref<26x128xf32, #tpu.memory_space<vmem>>) dst(%dma_wait3A_530 : memref<26x128xf32, #tpu.memory_space<hbm>>)
    %add3A_534 = arith.constant 120 : i32
    %add3A_535 = arith.addi %mul3A_2, %add3A_534 : i32
    %add3A_536 = arith.constant 3 : i32
    %add3A_537 = arith.addi %add3A_535, %add3A_536 : i32
    %dma_wait3A_538 = arith.constant 78 : i32
    %dma_wait3A_539 = arith.constant 0 : i32
    %dma_wait3A_540 = tpu.memref_slice %arg8[%dma_wait3A_538, %dma_wait3A_539] : memref<104x128xf32, #tpu.memory_space<vmem>> -> memref<26x128xf32, #tpu.memory_space<vmem>>
    %dma_wait3A_541 = arith.constant 0 : i32
    %dma_wait3A_542 = arith.constant 0 : i32
    %dma_wait3A_543 = tpu.memref_slice %arg4[%add3A_537, %dma_wait3A_541, %dma_wait3A_542] : memref<4096x26x128xf32, #tpu.memory_space<hbm>> -> memref<1x26x128xf32, #tpu.memory_space<hbm>>
    %dma_wait3A_544 = tpu.memref_squeeze %dma_wait3A_543 : memref<1x26x128xf32, #tpu.memory_space<hbm>> -> memref<26x128xf32, #tpu.memory_space<hbm>>
    %dma_wait3A_545 = arith.constant 0 : i32
    %dma_wait3A_546 = arith.constant 0 : i32
    %dma_wait3A_547 = tpu.memref_slice %arg4[%add3A_537, %dma_wait3A_545, %dma_wait3A_546] : memref<4096x26x128xf32, #tpu.memory_space<hbm>> -> memref<1x26x128xf32, #tpu.memory_space<hbm>>
    %dma_wait3A_548 = tpu.memref_squeeze %dma_wait3A_547 : memref<1x26x128xf32, #tpu.memory_space<hbm>> -> memref<26x128xf32, #tpu.memory_space<hbm>>
    %dma_wait3A_549 = arith.constant 78 : i32
    %dma_wait3A_550 = arith.constant 0 : i32
    %dma_wait3A_551 = tpu.memref_slice %arg8[%dma_wait3A_549, %dma_wait3A_550] : memref<104x128xf32, #tpu.memory_space<vmem>> -> memref<26x128xf32, #tpu.memory_space<vmem>>
    tpu.wait_dma2 semaphore(%arg16 : memref<!tpu.dma_semaphore, #tpu.memory_space<semaphore_mem>>) src(%dma_wait3A_551 : memref<26x128xf32, #tpu.memory_space<vmem>>) dst(%dma_wait3A_548 : memref<26x128xf32, #tpu.memory_space<hbm>>)
    %add3A_552 = arith.constant 124 : i32
    %add3A_553 = arith.addi %mul3A_2, %add3A_552 : i32
    %add3A_554 = arith.constant 0 : i32
    %add3A_555 = arith.addi %add3A_553, %add3A_554 : i32
    %dma_wait3A_556 = arith.constant 0 : i32
    %dma_wait3A_557 = arith.constant 0 : i32
    %dma_wait3A_558 = tpu.memref_slice %arg9[%dma_wait3A_556, %dma_wait3A_557] : memref<104x128xf32, #tpu.memory_space<vmem>> -> memref<26x128xf32, #tpu.memory_space<vmem>>
    %dma_wait3A_559 = arith.constant 0 : i32
    %dma_wait3A_560 = arith.constant 0 : i32
    %dma_wait3A_561 = tpu.memref_slice %arg4[%add3A_555, %dma_wait3A_559, %dma_wait3A_560] : memref<4096x26x128xf32, #tpu.memory_space<hbm>> -> memref<1x26x128xf32, #tpu.memory_space<hbm>>
    %dma_wait3A_562 = tpu.memref_squeeze %dma_wait3A_561 : memref<1x26x128xf32, #tpu.memory_space<hbm>> -> memref<26x128xf32, #tpu.memory_space<hbm>>
    %dma_wait3A_563 = arith.constant 0 : i32
    %dma_wait3A_564 = arith.constant 0 : i32
    %dma_wait3A_565 = tpu.memref_slice %arg4[%add3A_555, %dma_wait3A_563, %dma_wait3A_564] : memref<4096x26x128xf32, #tpu.memory_space<hbm>> -> memref<1x26x128xf32, #tpu.memory_space<hbm>>
    %dma_wait3A_566 = tpu.memref_squeeze %dma_wait3A_565 : memref<1x26x128xf32, #tpu.memory_space<hbm>> -> memref<26x128xf32, #tpu.memory_space<hbm>>
    %dma_wait3A_567 = arith.constant 0 : i32
    %dma_wait3A_568 = arith.constant 0 : i32
    %dma_wait3A_569 = tpu.memref_slice %arg9[%dma_wait3A_567, %dma_wait3A_568] : memref<104x128xf32, #tpu.memory_space<vmem>> -> memref<26x128xf32, #tpu.memory_space<vmem>>
    tpu.wait_dma2 semaphore(%arg17 : memref<!tpu.dma_semaphore, #tpu.memory_space<semaphore_mem>>) src(%dma_wait3A_569 : memref<26x128xf32, #tpu.memory_space<vmem>>) dst(%dma_wait3A_566 : memref<26x128xf32, #tpu.memory_space<hbm>>)
    %add3A_570 = arith.constant 124 : i32
    %add3A_571 = arith.addi %mul3A_2, %add3A_570 : i32
    %add3A_572 = arith.constant 1 : i32
    %add3A_573 = arith.addi %add3A_571, %add3A_572 : i32
    %dma_wait3A_574 = arith.constant 26 : i32
    %dma_wait3A_575 = arith.constant 0 : i32
    %dma_wait3A_576 = tpu.memref_slice %arg9[%dma_wait3A_574, %dma_wait3A_575] : memref<104x128xf32, #tpu.memory_space<vmem>> -> memref<26x128xf32, #tpu.memory_space<vmem>>
    %dma_wait3A_577 = arith.constant 0 : i32
    %dma_wait3A_578 = arith.constant 0 : i32
    %dma_wait3A_579 = tpu.memref_slice %arg4[%add3A_573, %dma_wait3A_577, %dma_wait3A_578] : memref<4096x26x128xf32, #tpu.memory_space<hbm>> -> memref<1x26x128xf32, #tpu.memory_space<hbm>>
    %dma_wait3A_580 = tpu.memref_squeeze %dma_wait3A_579 : memref<1x26x128xf32, #tpu.memory_space<hbm>> -> memref<26x128xf32, #tpu.memory_space<hbm>>
    %dma_wait3A_581 = arith.constant 0 : i32
    %dma_wait3A_582 = arith.constant 0 : i32
    %dma_wait3A_583 = tpu.memref_slice %arg4[%add3A_573, %dma_wait3A_581, %dma_wait3A_582] : memref<4096x26x128xf32, #tpu.memory_space<hbm>> -> memref<1x26x128xf32, #tpu.memory_space<hbm>>
    %dma_wait3A_584 = tpu.memref_squeeze %dma_wait3A_583 : memref<1x26x128xf32, #tpu.memory_space<hbm>> -> memref<26x128xf32, #tpu.memory_space<hbm>>
    %dma_wait3A_585 = arith.constant 26 : i32
    %dma_wait3A_586 = arith.constant 0 : i32
    %dma_wait3A_587 = tpu.memref_slice %arg9[%dma_wait3A_585, %dma_wait3A_586] : memref<104x128xf32, #tpu.memory_space<vmem>> -> memref<26x128xf32, #tpu.memory_space<vmem>>
    tpu.wait_dma2 semaphore(%arg17 : memref<!tpu.dma_semaphore, #tpu.memory_space<semaphore_mem>>) src(%dma_wait3A_587 : memref<26x128xf32, #tpu.memory_space<vmem>>) dst(%dma_wait3A_584 : memref<26x128xf32, #tpu.memory_space<hbm>>)
    %add3A_588 = arith.constant 124 : i32
    %add3A_589 = arith.addi %mul3A_2, %add3A_588 : i32
    %add3A_590 = arith.constant 2 : i32
    %add3A_591 = arith.addi %add3A_589, %add3A_590 : i32
    %dma_wait3A_592 = arith.constant 52 : i32
    %dma_wait3A_593 = arith.constant 0 : i32
    %dma_wait3A_594 = tpu.memref_slice %arg9[%dma_wait3A_592, %dma_wait3A_593] : memref<104x128xf32, #tpu.memory_space<vmem>> -> memref<26x128xf32, #tpu.memory_space<vmem>>
    %dma_wait3A_595 = arith.constant 0 : i32
    %dma_wait3A_596 = arith.constant 0 : i32
    %dma_wait3A_597 = tpu.memref_slice %arg4[%add3A_591, %dma_wait3A_595, %dma_wait3A_596] : memref<4096x26x128xf32, #tpu.memory_space<hbm>> -> memref<1x26x128xf32, #tpu.memory_space<hbm>>
    %dma_wait3A_598 = tpu.memref_squeeze %dma_wait3A_597 : memref<1x26x128xf32, #tpu.memory_space<hbm>> -> memref<26x128xf32, #tpu.memory_space<hbm>>
    %dma_wait3A_599 = arith.constant 0 : i32
    %dma_wait3A_600 = arith.constant 0 : i32
    %dma_wait3A_601 = tpu.memref_slice %arg4[%add3A_591, %dma_wait3A_599, %dma_wait3A_600] : memref<4096x26x128xf32, #tpu.memory_space<hbm>> -> memref<1x26x128xf32, #tpu.memory_space<hbm>>
    %dma_wait3A_602 = tpu.memref_squeeze %dma_wait3A_601 : memref<1x26x128xf32, #tpu.memory_space<hbm>> -> memref<26x128xf32, #tpu.memory_space<hbm>>
    %dma_wait3A_603 = arith.constant 52 : i32
    %dma_wait3A_604 = arith.constant 0 : i32
    %dma_wait3A_605 = tpu.memref_slice %arg9[%dma_wait3A_603, %dma_wait3A_604] : memref<104x128xf32, #tpu.memory_space<vmem>> -> memref<26x128xf32, #tpu.memory_space<vmem>>
    tpu.wait_dma2 semaphore(%arg17 : memref<!tpu.dma_semaphore, #tpu.memory_space<semaphore_mem>>) src(%dma_wait3A_605 : memref<26x128xf32, #tpu.memory_space<vmem>>) dst(%dma_wait3A_602 : memref<26x128xf32, #tpu.memory_space<hbm>>)
    %add3A_606 = arith.constant 124 : i32
    %add3A_607 = arith.addi %mul3A_2, %add3A_606 : i32
    %add3A_608 = arith.constant 3 : i32
    %add3A_609 = arith.addi %add3A_607, %add3A_608 : i32
    %dma_wait3A_610 = arith.constant 78 : i32
    %dma_wait3A_611 = arith.constant 0 : i32
    %dma_wait3A_612 = tpu.memref_slice %arg9[%dma_wait3A_610, %dma_wait3A_611] : memref<104x128xf32, #tpu.memory_space<vmem>> -> memref<26x128xf32, #tpu.memory_space<vmem>>
    %dma_wait3A_613 = arith.constant 0 : i32
    %dma_wait3A_614 = arith.constant 0 : i32
    %dma_wait3A_615 = tpu.memref_slice %arg4[%add3A_609, %dma_wait3A_613, %dma_wait3A_614] : memref<4096x26x128xf32, #tpu.memory_space<hbm>> -> memref<1x26x128xf32, #tpu.memory_space<hbm>>
    %dma_wait3A_616 = tpu.memref_squeeze %dma_wait3A_615 : memref<1x26x128xf32, #tpu.memory_space<hbm>> -> memref<26x128xf32, #tpu.memory_space<hbm>>
    %dma_wait3A_617 = arith.constant 0 : i32
    %dma_wait3A_618 = arith.constant 0 : i32
    %dma_wait3A_619 = tpu.memref_slice %arg4[%add3A_609, %dma_wait3A_617, %dma_wait3A_618] : memref<4096x26x128xf32, #tpu.memory_space<hbm>> -> memref<1x26x128xf32, #tpu.memory_space<hbm>>
    %dma_wait3A_620 = tpu.memref_squeeze %dma_wait3A_619 : memref<1x26x128xf32, #tpu.memory_space<hbm>> -> memref<26x128xf32, #tpu.memory_space<hbm>>
    %dma_wait3A_621 = arith.constant 78 : i32
    %dma_wait3A_622 = arith.constant 0 : i32
    %dma_wait3A_623 = tpu.memref_slice %arg9[%dma_wait3A_621, %dma_wait3A_622] : memref<104x128xf32, #tpu.memory_space<vmem>> -> memref<26x128xf32, #tpu.memory_space<vmem>>
    tpu.wait_dma2 semaphore(%arg17 : memref<!tpu.dma_semaphore, #tpu.memory_space<semaphore_mem>>) src(%dma_wait3A_623 : memref<26x128xf32, #tpu.memory_space<vmem>>) dst(%dma_wait3A_620 : memref<26x128xf32, #tpu.memory_space<hbm>>)
    return
  }
}

</mosaic_0001>

<sc_bundles>
// kernel: _sc_gather.3.cloned.1.call-start
scs
__scs_entry_jumppad:
0x0: {  	(pc) =	sbr.rel $0x88, $3  }
0x1: {  	(tag) =	ssettag $0x0;
	lr =	simm.s32 $0x1  }
0x2: {  	[smem:$0x3F9F] =	sst lr;
	_ =	strace $0xD0000000  }
0x3: {  	_ = 	snop  }
0x4: {  	_ = 	snop  }
0x5: {  	_ = 	snop  }
0x6: {  	_ = 	snop  }
0x7: {  	_ = 	snop  }
__scs_overlays_trampoline_lowered:
0x8: {  	[smem:$0x3FAE] =	sst s0  }
0x9: {  	[smem:$0x3FAF] =	sst s1  }
0xa: {  	[smem:$0x3FB0] =	sst s2  }
0xb: {  	[smem:$0x3FB1] =	sst s3  }
0xc: {  	[smem:$0x3FB2] =	sst s4  }
0xd: {  	[smem:$0x3FB3] =	sst s5  }
0xe: {  	[smem:$0x3FB4] =	sst s6  }
0xf: {  	[smem:$0x3FB5] =	sst s7  }
0x10: {  	[smem:$0x3FB6] =	sst s8  }
0x11: {  	[smem:$0x3FB7] =	sst s9;
	s0 =	simm.s32 @!p0 $0x0  }
0x12: {  	s1 =	sld [smem:$0x3F9D];
	s0 =	simm.s32 @p0 $0x1  }
0x13: {  	[smem:$0x3FB8] =	sst s0;
	s0 =	simm.s32 @!p1 $0x0  }
0x14: {  	s2 =	sld [smem:$0x3F9C];
	s0 =	simm.s32 @p1 $0x1  }
0x15: {  	[smem:$0x3FB9] =	sst s0;
	s0 =	simm.s32 @!p2 $0x0  }
0x16: {  	s3 =	sld [smem:$0x3FDB];
	s0 =	simm.s32 @p2 $0x1  }
0x17: {  	s4 =	simm.s32 $0x1BF5;
	[smem:$0x3FBB] =	sst s0  }
0x18: {  	s0 =	sld [smem:$0x3F9E];
	_ =	swait.ge [sflag:s4], $0x0  }
0x19: {  	s7 =	sld [smem:$0x3F9F]  }
0x1a: {  	s8 =	sadd.s32 $0xFFFFE003, lr  }
0x1b: {  	s9 =	sadd.s32 $0xFFFFFEF7, lr;
	s5 =	simm.s32 $0xFFFFFFFF;
	p2 =	slt.u32 s8, $0xFFFFF086  }
0x1c: {  	p1 =	slt.u32 s9, $0xF7A;
	s5 =	simm.s32 @!p2 $0x0  }
0x1d: {  	s5 =	simm.s32 @p1 $0x1;
	p0 =	seq.s32 s7, s2  }
0x1e: {  	s7 =	smul.u32 @!p0 $0xF7A, s2;
	p2 =	seq.s32 @!p0 s5, $0x0  }
0x1f: {  	s9 =	smul.u32 $0xF7A, s1;
	s8 =	simm.s32 @!p0 $0x1BF5;
	p2 =	por !p2, p0  }
0x20: {  	[sflag:s8] =	ssyncset.s32 @!p0 $0xFFFFF086;
	s6 =	sadd.s32 @!p0 s3, s7;
	s7 =	simm.s32 @!p0 $0x108  }
0x21: {  	s3 =	sadd.s32 s3, s9;
	s6 =	sadd.s32 @!p0 $0x88, s6;
	s7 =	simm.s32 @p2 $0x1082  }
0x22: {  	[simem:s7], [sflag:s8] =	dma.local @!p0 [hbm:s6], $0xF7A  }
0x23: {  	s9 =	sor.u32 $0xD0000000, s2;
	s6 =	simm.s32 $0x108;
	_ =	swait.ge @!p0 [sflag:s8], $0x0  }
0x24: {  	s3 =	sadd.s32 $0x88, s3;
	s6 =	simm.s32 @!p1 $0x1082;
	[sflag:s4] =	ssyncset.s32 $0xFFFFF086  }
0x25: {  	[simem:s6], [sflag:s4] =	dma.local [hbm:s3], $0xF7A  }
0x26: {  	[smem:$0x3F9F] =	sst s1;
	(tag) =	ssettag s2;
	_ =	strace s9  }
0x27: {  	s1 =	sld [smem:$0x3FAF]  }
0x28: {  	s2 =	sld [smem:$0x3FB0]  }
0x29: {  	s4 =	sld [smem:$0x3FB2]  }
0x2a: {  	p0 =	seq.s32 s5, $0x0;
	s5 =	sld [smem:$0x3FB3]  }
0x2b: {  	s6 =	sld [smem:$0x3FB4]  }
0x2c: {  	s7 =	sld [smem:$0x3FB5]  }
0x2d: {  	s3 =	simm.s32 $0x108;
	s8 =	sld [smem:$0x3FB6]  }
0x2e: {  	s3 =	simm.s32 @!p0 $0x1082;
	s9 =	sld [smem:$0x3FB7]  }
0x2f: {  	lr =	sadd.s32 s0, s3;
	s0 =	sld [smem:$0x3FAE]  }
0x30: {  	s3 =	sld [smem:$0x3FB1]  }
0x31: {  	[smem:$0x3FBA] =	sst s10  }
0x32: {  	s10 =	sld [smem:$0x3FB8];
	_ =	sdelay $0x3  }
0x33: {  	p0 =	seq.s32 s10, $0x1;
	s10 =	sld [smem:$0x3FBA];
	_ =	sdelay $0x3  }
0x34: {  	[smem:$0x3FBA] =	sst s10  }
0x35: {  	s10 =	sld [smem:$0x3FB9];
	_ =	sdelay $0x3  }
0x36: {  	p1 =	seq.s32 s10, $0x1;
	s10 =	sld [smem:$0x3FBA];
	_ =	sdelay $0x3  }
0x37: {  	[smem:$0x3FBA] =	sst s10  }
0x38: {  	s10 =	sld [smem:$0x3FBB]  }
0x39: {  	_ = 	snop;
	(pc) =	sbr.ind lr, $3  }
0x3a: {  	_ = 	snop  }
0x3b: {  	_ = 	snop  }
0x3c: {  	p2 =	seq.s32 s10, $0x1;
	s10 =	sld [smem:$0x3FBA]  }
0x3d: {  	_ =	shalt  }
0x3e: {  	_ =	shalt  }
0x3f: {  	_ =	shalt  }
0x40: {  	_ =	shalt  }
0x41: {  	_ =	shalt  }
0x42: {  	_ =	shalt  }
0x43: {  	_ =	shalt  }
0x44: {  	_ =	shalt  }
0x45: {  	_ =	shalt  }
0x46: {  	_ =	shalt  }
0x47: {  	_ =	shalt  }
0x48: {  	_ =	shalt  }
0x49: {  	_ =	shalt  }
0x4a: {  	_ =	shalt  }
0x4b: {  	_ =	shalt  }
0x4c: {  	_ =	shalt  }
0x4d: {  	_ =	shalt  }
0x4e: {  	_ =	shalt  }
0x4f: {  	_ =	shalt  }
0x50: {  	_ =	shalt  }
0x51: {  	_ =	shalt  }
0x52: {  	_ =	shalt  }
0x53: {  	_ =	shalt  }
0x54: {  	_ =	shalt  }
0x55: {  	_ =	shalt  }
0x56: {  	_ =	shalt  }
0x57: {  	_ =	shalt  }
0x58: {  	_ =	shalt  }
0x59: {  	_ =	shalt  }
0x5a: {  	_ =	shalt  }
0x5b: {  	_ =	shalt  }
0x5c: {  	_ =	shalt  }
0x5d: {  	_ =	shalt  }
0x5e: {  	_ =	shalt  }
0x5f: {  	_ =	shalt  }
0x60: {  	_ =	shalt  }
0x61: {  	_ =	shalt  }
0x62: {  	_ =	shalt  }
0x63: {  	_ =	shalt  }
0x64: {  	_ =	shalt  }
0x65: {  	_ =	shalt  }
0x66: {  	_ =	shalt  }
0x67: {  	_ =	shalt  }
0x68: {  	_ =	shalt  }
0x69: {  	_ =	shalt  }
0x6a: {  	_ =	shalt  }
0x6b: {  	_ =	shalt  }
0x6c: {  	_ =	shalt  }
0x6d: {  	_ =	shalt  }
0x6e: {  	_ =	shalt  }
0x6f: {  	_ =	shalt  }
0x70: {  	_ =	shalt  }
0x71: {  	_ =	shalt  }
0x72: {  	_ =	shalt  }
0x73: {  	_ =	shalt  }
0x74: {  	_ =	shalt  }
0x75: {  	_ =	shalt  }
0x76: {  	_ =	shalt  }
0x77: {  	_ =	shalt  }
0x78: {  	_ =	shalt  }
0x79: {  	_ =	shalt  }
0x7a: {  	_ =	shalt  }
0x7b: {  	_ =	shalt  }
0x7c: {  	_ =	shalt  }
0x7d: {  	_ =	shalt  }
0x7e: {  	_ =	shalt  }
0x7f: {  	_ =	shalt  }
0x80: {  	_ =	shalt  }
0x81: {  	_ =	shalt  }
0x82: {  	_ =	shalt  }
0x83: {  	_ =	shalt  }
0x84: {  	_ =	shalt  }
0x85: {  	_ =	shalt  }
0x86: {  	_ =	shalt  }
0x87: {  	_ =	shalt  }
.Lfunc_end0:
.L_simem_size_0:
called_computation_lowered:
.L_overlay_start_0:
0x88: {  	s2 =	sld [smem:$0x3FD9]  }
0x89: {  	s3 =	sld [smem:$0x3FFE];
	_ =	sdelay $0x1  }
0x8a: {  	s1 =	srdreg.scid  }
0x8b: {  	s0 =	sand.u32 $0x1, s1  }
0x8c: {  	s17 =	sshll.u32 s0, $0xA;
	s2 =	sadd.s32 s3, s2  }
0x8d: {  	s2 =	sadd.s32 s2, s17  }
0x8e: {  	[smem:$0x3FC6] =	sst s2  }
0x8f: {  	_ = 	snop  }
0x90: {  	s2 =	sld [smem:$0x3FC9]  }
0x91: {  	s18 =	sld [smem:$0x3FC8];
	(tm) =	ssettm $0x1  }
0x92: {  	s4 =	sld [smem:$0x3FFB];
	_ =	sdelay $0x3  }
0x93: {  	_ =	strace s4  }
0x94: {  	s4 =	sld [smem:$0x3FFC];
	_ =	sdelay $0x3  }
0x95: {  	_ =	strace s4  }
0x96: {  	s4 =	sld [smem:$0x3FFD];
	_ =	sdelay $0x3  }
0x97: {  	_ =	strace s4  }
0x98: {  	_ =	strace $0x8FFFFFFF  }
0x99: {  	s19 =	sld [smem:$0x3FDB];
	_ =	sdelay $0x1  }
0x9a: {  	s5 =	simm.s32 $_scs_section_size  }
0x9b: {  	s6 =	simm.s32 $_size__tile_overlayer_lowered;
	s7 =	simm.s32 $_tile_overlayer_lowered  }
0x9c: {  	s22 =	simm.s32 $0x1BFF;
	s21 =	sshll.u32 s7, $0x1;
	s4 =	sadd.s32 s5, s19  }
0x9d: {  	s8 =	simm.s32 $0x0;
	s20 =	sshll.u32 s6, $0x1;
	s6 =	sadd.s32 s21, s4  }
0x9e: {  	[timem:s8], [sflag:s22] =	dma.local [hbm:s6], s20  }
0x9f: {  	_ =	swait.ge [sflag:s22], s20  }
0xa0: {  	s5 =	ssub.s32 $0x0, s20;
	[sflag:s22] =	ssyncset.done $0x0  }
0xa1: {  	[sflag:s22] =	ssyncadd.s32 s5;
	_ =	sdelay $0x1  }
0xa2: {  	s23 =	simm.s32 $0x1B8B  }
0xa3: {  	_ =	swait.ge [sflag:s23], $0x1  }
0xa4: {  	[sflag:s23] =	ssyncset.done $0x0  }
0xa5: {  	s25 =	simm.s32 $0x1B8E;
	s24 =	sld [smem:$0x3FFE];
	[sflag:s23] =	ssyncadd.s32 $0xFFFFFFFF  }
0xa6: {  	s26 =	simm.s32 $execute0_lowered;
	[smem:$0x3FD2] =	sst s25  }
0xa7: {  	s6 =	sshll.u32 s26, $0x1;
	_ =	strace $0x80000046;
	[dreg:$0x1] =	wrdreg $0xFFFFFFFF  }
0xa8: {  	s28 =	simm.s32 $_size_execute0_lowered;
	s4 =	sadd.s32 s4, s6;
	[dreg:$0x0] =	wrdreg $0x0  }
0xa9: {  	s6 =	sshll.u32 s28, $0x1;
	[dreg:$0x2] =	wrdreg s4  }
0xaa: {  	[dreg:$0x3] =	wrdreg s6  }
0xab: {  	[dreg:$0x4] =	wrdreg $0xC0  }
0xac: {  	_ =	task [dreg:s8], $0x5FFFF  }
0xad: {  	[dreg:$0x1] =	wrdreg $0xFFFFFFFF  }
0xae: {  	[dreg:$0x0] =	wrdreg $0x60  }
0xaf: {  	[dreg:$0x2] =	wrdreg s2  }
0xb0: {  	[dreg:$0x3] =	wrdreg s18  }
0xb1: {  	[dreg:$0x4] =	wrdreg s24  }
0xb2: {  	[dreg:$0x5] =	wrdreg $0x9  }
0xb3: {  	_ =	task.clear_ibuf [dreg:s8], $0x6FFFF;
	_ =	strace $0x90000046  }
0xb4: {  	s29 =	simm.s32 $0x9;
	_ =	strace $0x80000048  }
0xb5: {  	_ =	swait.ge [sflag:s29], $0x1  }
0xb6: {  	[sflag:s29] =	ssyncadd.s32 $0xFFFFFFFF  }
0xb7: {  	_ =	strace $0x90000048  }
0xb8: {  	_ =	sfence  }
0xb9: {  	s30 =	sld [smem:$0x0];
	_ =	sdelay $0x2  }
0xba: {  	s31 =	sshll.u32 s1, $0xD;
	s1 =	sshrl.u32 s1, $0x2  }
0xbb: {  	s3 =	sand.u32 $0x4000, s31;
	s1 =	sadd.s32 s1, s30  }
0xbc: {  	s0 =	sor.u32 s3, s0;
	s1 =	sshll.u32 s1, $0x11  }
0xbd: {  	s0 =	sor.u32 s1, s0  }
0xbe: {  	s0 =	sadd.s32 $0x8F2B, s0  }
0xbf: {  	[sflag:s0] =	ssyncadd.remote.s32 $0x1  }
0xc0: {  	_ =	sfence.sel $0xFFFF  }
0xc1: {  	[dreg:$0x0] =	wrdreg $0xFFFFFFFF;
	(pc) =	sbr.abs _section_cstart, $3  }
0xc2: {  	[dreg:$0x1] =	wrdreg $0xFFFFFFFF  }
0xc3: {  	_ =	task.clear_ibuf [dreg:s8], $0x2FFFF;
	_ =	strace $0x9FFFFFFF  }
0xc4: {  	(tm) =	ssettm $0x7FFFFFFF  }
0xc5: {  	_ =	shalt  }
tec
execute0_lowered:
.L_overlay_start_1:
0x0: {  	(tag) =	ssettag $0x1  }
0x1: {  	s4 =	srdreg.scid;
	s9 =	stileid.u32  }
0x2: {  	s0 =	rddreg [dreg:$0x0];
	s4 =	sand.u32 $0x1, s4;
	s5 =	sshll.u32 s9, $0x1  }
0x3: {  	s1 =	rddreg [dreg:$0x1];
	s5 =	sor.u32 s4, s5  }
0x4: {  	s2 =	rddreg [dreg:$0x2];
	s3 =	simm.s32 $0x0;
	s8 =	smul.u32 $0x1A0, s5  }
0x5: {  	[smem:$0x7FF] =	sst s3;
	s2 =	sadd.s32 $0x400, s2;
	s5 =	sshll.u32 s5, $0x10  }
0x6: {  	s6 =	ssub.s32 $0x2, s4;
	s5 =	sadd.s32 s5, s2;
	s0 =	sadd.s32 s0, s8  }
0x7: {  	_ =	strace $0x80000047;
	s25 =	sadd.s32 $0xE000, s5;
	[dreg:$0x8] =	wrdreg s0  }
0x8: {  	s7 =	sshrl.u32 s6, $0x1;
	s26 =	sadd.s32 $0xE200, s5;
	[dreg:$0x9] =	wrdreg s25  }
0x9: {  	s6 =	ssub.s32 s6, s7;
	s7 =	sadd.s32 $0xE400, s5;
	[dreg:$0xa] =	wrdreg s26  }
0xa: {  	s8 =	sadd.s32 $0xE600, s5;
	[dreg:$0xb] =	wrdreg s7  }
0xb: {  	s10 =	sadd.s32 $0xE800, s5;
	[dreg:$0xc] =	wrdreg s8  }
0xc: {  	s11 =	sadd.s32 $0xEA00, s5;
	[dreg:$0xd] =	wrdreg s10  }
0xd: {  	s12 =	sadd.s32 $0xEC00, s5;
	[dreg:$0xe] =	wrdreg s11  }
0xe: {  	s28 =	simm.s32 $0x7500;
	s13 =	sadd.s32 $0xEE00, s5;
	[dreg:$0xf] =	wrdreg s12  }
0xf: {  	s30 =	simm.s32 $0xA900;
	s14 =	sadd.s32 $0xF000, s5;
	[dreg:$0x10] =	wrdreg s13  }
0x10: {  	s31 =	simm.s32 $0x1;
	s15 =	sadd.s32 $0xF200, s5;
	[dreg:$0x11] =	wrdreg s14  }
0x11: {  	s29 =	simm.s32 $0x5;
	s16 =	sadd.s32 $0xF400, s5;
	[dreg:$0x12] =	wrdreg s15  }
0x12: {  	s18 =	sshll.u32 s9, $0x11;
	s17 =	sadd.s32 $0xF600, s5;
	[dreg:$0x13] =	wrdreg s16  }
0x13: {  	s9 =	simm.s32 $0x3;
	s19 =	sadd.s32 $0xF800, s5;
	[dreg:$0x14] =	wrdreg s17  }
0x14: {  	s4 =	sshll.u32 s4, $0x10;
	s21 =	sadd.s32 $0xFA00, s5;
	[dreg:$0x15] =	wrdreg s19  }
0x15: {  	s20 =	sadd.s32 s18, s2;
	s22 =	sadd.s32 $0xFC00, s5;
	[dreg:$0x16] =	wrdreg s21  }
0x16: {  	s24 =	sadd.s32 $0xFE00, s5;
	s5 =	simm.s32 $0x4E00;
	[dreg:$0x17] =	wrdreg s22  }
0x17: {  	s0 =	sor.u32 s4, s18;
	s4 =	sadd.s32 s4, s20;
	[dreg:$0x18] =	wrdreg s24  }
0x18: {  	s26 =	smax.u32 s6, $0x1;
	s24 =	simm.s32 $0xD00;
	s6 =	simm.s32 $0x5B00  }
0x19: {  	s7 =	simm.s32 $0x6800;
	s8 =	simm.s32 $0x6;
	s10 =	simm.s32 $0x8200  }
0x1a: {  	s11 =	simm.s32 $0x8F00;
	s12 =	simm.s32 $0x9C00;
	s13 =	simm.s32 $0x7  }
0x1b: {  	s14 =	simm.s32 $0x4;
	s15 =	simm.s32 $0xB600;
	s16 =	simm.s32 $0xC300  }
0x1c: {  	s17 =	simm.s32 $0xD000;
	s0 =	sadd.s32 s0, s2;
	[dreg:$0x4] =	wrdreg s4  }
0x1d: {  	s18 =	simm.s32 $0x8;
	[dreg:$0x19] =	wrdreg s26;
	s23 =	sadd.s32 $0x1800, s0  }
0x1e: {  	s4 =	simm.s32 $0x2;
	s25 =	sadd.s32 $0x1000, s0;
	[dreg:$0x5] =	wrdreg s23  }
0x1f: {  	s2 =	simm.s32 $0x0;
	s0 =	sadd.s32 $0x800, s0;
	[dreg:$0x6] =	wrdreg s25  }
0x20: {  	[dreg:$0x7] =	wrdreg s0;
	s23 =	simm.s32 $0x68;
	s25 =	simm.s32 $0x4100  }
.LBB2_1:
0x21: {  	[dreg:$0x1a] =	wrdreg s2  }
0x22: {  	s0 =	rddreg [dreg:$0x8];
	s20 =	simm.s32 $0x9  }
0x23: {  	[tilespmem:s3], [sflag:$0x9] =	stream.linear.gather [hbm4b:s0+s3], $0xD00, $0x38;
	[tilespmem:$0xDD00] =	vst v63  }
0x24: {  	_ =	swait.ge [sflag:s20], $0xD00  }
0x25: {  	[sflag:s20] =	ssyncset.done $0x0  }
0x26: {  	[sflag:s20] =	ssyncadd.s32 $0xFFFFF300  }
0x27: {  	[tilespmem:s24], [sflag:$0x1] =	stream.indirect.gather [hbm4b:s1+s23], $0x80, s3, s23, $0xb8;
	[tilespmem:$0xDD00] =	vst v63  }
0x28: {  	_ = 	snop  }
0x29: {  	[tilespmem:s25], [sflag:$0x2] =	stream.indirect.gather [hbm4b:s1+s23], $0x80, s23, s23, $0xb8;
	[tilespmem:$0xDD00] =	vst v63  }
0x2a: {  	s21 =	simm.s32 $0xD0  }
0x2b: {  	[tilespmem:s28], [sflag:$0x3] =	stream.indirect.gather [hbm4b:s1+s23], $0x80, s21, s23, $0xb8;
	[tilespmem:$0xDD00] =	vst v63  }
0x2c: {  	s22 =	simm.s32 $0x138  }
0x2d: {  	[tilespmem:s30], [sflag:$0x4] =	stream.indirect.gather [hbm4b:s1+s23], $0x80, s22, s23, $0xb8;
	[tilespmem:$0xDD00] =	vst v63  }
0x2e: {  	_ =	swait.ge [sflag:s31], $0x3400  }
0x2f: {  	s19 =	rddreg [dreg:$0x4];
	[sflag:s31] =	ssyncset.done $0x0  }
0x30: {  	[sflag:s31] =	ssyncadd.s32 $0xFFFFCC00;
	s19 =	sadd.s32 $0x0, s19  }
0x31: {  	[hbm4b:s19+s3] =	stream.linear.scatter [tilespmem:s24], [sflag:$0x5], $0xD00, $0x38;
	[tilespmem:$0xDD00] =	vst v63  }
0x32: {  	s26 =	simm.s32 $0x1A00;
	s20 =	sadd.s32 $0x200, s19  }
0x33: {  	[hbm4b:s20+s3] =	stream.linear.scatter [tilespmem:s26], [sflag:$0x5], $0xD00, $0x38;
	[tilespmem:$0xDD00] =	vst v63  }
0x34: {  	s21 =	simm.s32 $0x2700;
	s2 =	sadd.s32 $0x400, s19  }
0x35: {  	[hbm4b:s2+s3] =	stream.linear.scatter [tilespmem:s21], [sflag:$0x5], $0xD00, $0x38;
	[tilespmem:$0xDD00] =	vst v63  }
0x36: {  	s22 =	simm.s32 $0x3400;
	s19 =	sadd.s32 $0x600, s19  }
0x37: {  	[hbm4b:s19+s3] =	stream.linear.scatter [tilespmem:s22], [sflag:$0x5], $0xD00, $0x38;
	[tilespmem:$0xDD00] =	vst v63  }
0x38: {  	_ =	swait.ge [sflag:s29], $0xD00  }
0x39: {  	[sflag:s29] =	ssyncset.done $0x0  }
0x3a: {  	[sflag:s29] =	ssyncadd.s32 $0xFFFFF300  }
0x3b: {  	_ =	swait.ge [sflag:s29], $0xD00  }
0x3c: {  	[sflag:s29] =	ssyncset.done $0x0  }
0x3d: {  	[sflag:s29] =	ssyncadd.s32 $0xFFFFF300  }
0x3e: {  	_ =	swait.ge [sflag:s29], $0xD00  }
0x3f: {  	[sflag:s29] =	ssyncset.done $0x0  }
0x40: {  	[sflag:s29] =	ssyncadd.s32 $0xFFFFF300  }
0x41: {  	_ =	swait.ge [sflag:s29], $0xD00  }
0x42: {  	[sflag:s29] =	ssyncset.done $0x0  }
0x43: {  	s26 =	simm.s32 $0x1A0;
	[sflag:s29] =	ssyncadd.s32 $0xFFFFF300  }
0x44: {  	[tilespmem:s24], [sflag:$0x1] =	stream.indirect.gather [hbm4b:s1+s23], $0x80, s26, s23, $0xb8;
	[tilespmem:$0xDD00] =	vst v63  }
0x45: {  	_ =	swait.ge [sflag:s4], $0x3400  }
0x46: {  	s0 =	rddreg [dreg:$0x7];
	[sflag:s4] =	ssyncset.done $0x0  }
0x47: {  	[sflag:s4] =	ssyncadd.s32 $0xFFFFCC00;
	s19 =	sadd.s32 $0x0, s0  }
0x48: {  	[hbm4b:s19+s3] =	stream.linear.scatter [tilespmem:s25], [sflag:$0x6], $0xD00, $0x38;
	[tilespmem:$0xDD00] =	vst v63  }
0x49: {  	s2 =	sadd.s32 $0x200, s19  }
0x4a: {  	[hbm4b:s2+s3] =	stream.linear.scatter [tilespmem:s5], [sflag:$0x6], $0xD00, $0x38;
	[tilespmem:$0xDD00] =	vst v63  }
0x4b: {  	s21 =	sadd.s32 $0x400, s19  }
0x4c: {  	[hbm4b:s21+s3] =	stream.linear.scatter [tilespmem:s6], [sflag:$0x6], $0xD00, $0x38;
	[tilespmem:$0xDD00] =	vst v63  }
0x4d: {  	s19 =	sadd.s32 $0x600, s19  }
0x4e: {  	[hbm4b:s19+s3] =	stream.linear.scatter [tilespmem:s7], [sflag:$0x6], $0xD00, $0x38;
	[tilespmem:$0xDD00] =	vst v63  }
0x4f: {  	_ =	swait.ge [sflag:s8], $0xD00  }
0x50: {  	[sflag:s8] =	ssyncset.done $0x0  }
0x51: {  	[sflag:s8] =	ssyncadd.s32 $0xFFFFF300  }
0x52: {  	_ =	swait.ge [sflag:s8], $0xD00  }
0x53: {  	[sflag:s8] =	ssyncset.done $0x0  }
0x54: {  	[sflag:s8] =	ssyncadd.s32 $0xFFFFF300  }
0x55: {  	_ =	swait.ge [sflag:s8], $0xD00  }
0x56: {  	[sflag:s8] =	ssyncset.done $0x0  }
0x57: {  	[sflag:s8] =	ssyncadd.s32 $0xFFFFF300  }
0x58: {  	_ =	swait.ge [sflag:s8], $0xD00  }
0x59: {  	[sflag:s8] =	ssyncset.done $0x0  }
0x5a: {  	s22 =	simm.s32 $0x208;
	[sflag:s8] =	ssyncadd.s32 $0xFFFFF300  }
0x5b: {  	[tilespmem:s25], [sflag:$0x2] =	stream.indirect.gather [hbm4b:s1+s23], $0x80, s22, s23, $0xb8;
	[tilespmem:$0xDD00] =	vst v63  }
0x5c: {  	_ =	swait.ge [sflag:s9], $0x3400  }
0x5d: {  	s26 =	rddreg [dreg:$0x6];
	[sflag:s9] =	ssyncset.done $0x0  }
0x5e: {  	[sflag:s9] =	ssyncadd.s32 $0xFFFFCC00;
	s19 =	sadd.s32 $0x0, s26  }
0x5f: {  	[hbm4b:s19+s3] =	stream.linear.scatter [tilespmem:s28], [sflag:$0x7], $0xD00, $0x38;
	[tilespmem:$0xDD00] =	vst v63  }
0x60: {  	s0 =	sadd.s32 $0x200, s19  }
0x61: {  	[hbm4b:s0+s3] =	stream.linear.scatter [tilespmem:s10], [sflag:$0x7], $0xD00, $0x38;
	[tilespmem:$0xDD00] =	vst v63  }
0x62: {  	s2 =	sadd.s32 $0x400, s19  }
0x63: {  	[hbm4b:s2+s3] =	stream.linear.scatter [tilespmem:s11], [sflag:$0x7], $0xD00, $0x38;
	[tilespmem:$0xDD00] =	vst v63  }
0x64: {  	s19 =	sadd.s32 $0x600, s19  }
0x65: {  	[hbm4b:s19+s3] =	stream.linear.scatter [tilespmem:s12], [sflag:$0x7], $0xD00, $0x38;
	[tilespmem:$0xDD00] =	vst v63  }
0x66: {  	_ =	swait.ge [sflag:s13], $0xD00  }
0x67: {  	[sflag:s13] =	ssyncset.done $0x0  }
0x68: {  	[sflag:s13] =	ssyncadd.s32 $0xFFFFF300  }
0x69: {  	_ =	swait.ge [sflag:s13], $0xD00  }
0x6a: {  	[sflag:s13] =	ssyncset.done $0x0  }
0x6b: {  	[sflag:s13] =	ssyncadd.s32 $0xFFFFF300  }
0x6c: {  	_ =	swait.ge [sflag:s13], $0xD00  }
0x6d: {  	[sflag:s13] =	ssyncset.done $0x0  }
0x6e: {  	[sflag:s13] =	ssyncadd.s32 $0xFFFFF300  }
0x6f: {  	_ =	swait.ge [sflag:s13], $0xD00  }
0x70: {  	[sflag:s13] =	ssyncset.done $0x0  }
0x71: {  	s20 =	simm.s32 $0x270;
	[sflag:s13] =	ssyncadd.s32 $0xFFFFF300  }
0x72: {  	[tilespmem:s28], [sflag:$0x3] =	stream.indirect.gather [hbm4b:s1+s23], $0x80, s20, s23, $0xb8;
	[tilespmem:$0xDD00] =	vst v63  }
0x73: {  	_ =	swait.ge [sflag:s14], $0x3400  }
0x74: {  	s21 =	rddreg [dreg:$0x5];
	[sflag:s14] =	ssyncset.done $0x0  }
0x75: {  	[sflag:s14] =	ssyncadd.s32 $0xFFFFCC00;
	s19 =	sadd.s32 $0x0, s21  }
0x76: {  	[hbm4b:s19+s3] =	stream.linear.scatter [tilespmem:s30], [sflag:$0x8], $0xD00, $0x38;
	[tilespmem:$0xDD00] =	vst v63  }
0x77: {  	s22 =	sadd.s32 $0x200, s19  }
0x78: {  	[hbm4b:s22+s3] =	stream.linear.scatter [tilespmem:s15], [sflag:$0x8], $0xD00, $0x38;
	[tilespmem:$0xDD00] =	vst v63  }
0x79: {  	s26 =	sadd.s32 $0x400, s19  }
0x7a: {  	[hbm4b:s26+s3] =	stream.linear.scatter [tilespmem:s16], [sflag:$0x8], $0xD00, $0x38;
	[tilespmem:$0xDD00] =	vst v63  }
0x7b: {  	s19 =	sadd.s32 $0x600, s19  }
0x7c: {  	[hbm4b:s19+s3] =	stream.linear.scatter [tilespmem:s17], [sflag:$0x8], $0xD00, $0x38;
	[tilespmem:$0xDD00] =	vst v63  }
0x7d: {  	_ =	swait.ge [sflag:s18], $0xD00  }
0x7e: {  	[sflag:s18] =	ssyncset.done $0x0  }
0x7f: {  	[sflag:s18] =	ssyncadd.s32 $0xFFFFF300  }
0x80: {  	_ =	swait.ge [sflag:s18], $0xD00  }
0x81: {  	[sflag:s18] =	ssyncset.done $0x0  }
0x82: {  	[sflag:s18] =	ssyncadd.s32 $0xFFFFF300  }
0x83: {  	_ =	swait.ge [sflag:s18], $0xD00  }
0x84: {  	[sflag:s18] =	ssyncset.done $0x0  }
0x85: {  	[sflag:s18] =	ssyncadd.s32 $0xFFFFF300  }
0x86: {  	_ =	swait.ge [sflag:s18], $0xD00  }
0x87: {  	s20 =	simm.s32 $0x2D8;
	[sflag:s18] =	ssyncset.done $0x0  }
0x88: {  	s21 =	simm.s32 $0x2000;
	s22 =	simm.s32 $0x478;
	[sflag:s18] =	ssyncadd.s32 $0xFFFFF300  }
.LBB2_2:
0x89: {  	[tilespmem:s30], [sflag:$0x4] =	stream.indirect.gather [hbm4b:s1+s23], $0x80, s20, s23, $0xb8;
	[tilespmem:$0xDD00] =	vst v63  }
0x8a: {  	_ =	swait.ge [sflag:s31], $0x3400  }
0x8b: {  	s19 =	smov.u32 s21;
	s0 =	rddreg [dreg:$0x4];
	[sflag:s31] =	ssyncset.done $0x0  }
0x8c: {  	[sflag:s31] =	ssyncadd.s32 $0xFFFFCC00;
	s0 =	sadd.s32 s19, s0  }
0x8d: {  	[hbm4b:s0+s3] =	stream.linear.scatter [tilespmem:s24], [sflag:$0x5], $0xD00, $0x38;
	[tilespmem:$0xDD00] =	vst v63  }
0x8e: {  	s26 =	simm.s32 $0x1A00;
	s2 =	sadd.s32 $0x200, s0  }
0x8f: {  	[hbm4b:s2+s3] =	stream.linear.scatter [tilespmem:s26], [sflag:$0x5], $0xD00, $0x38;
	[tilespmem:$0xDD00] =	vst v63  }
0x90: {  	s2 =	sadd.s32 $0x400, s0;
	s26 =	simm.s32 $0x2700  }
0x91: {  	[hbm4b:s2+s3] =	stream.linear.scatter [tilespmem:s26], [sflag:$0x5], $0xD00, $0x38;
	[tilespmem:$0xDD00] =	vst v63  }
0x92: {  	s0 =	sadd.s32 $0x600, s0;
	s26 =	simm.s32 $0x3400  }
0x93: {  	[hbm4b:s0+s3] =	stream.linear.scatter [tilespmem:s26], [sflag:$0x5], $0xD00, $0x38;
	[tilespmem:$0xDD00] =	vst v63  }
0x94: {  	_ =	swait.ge [sflag:s29], $0xD00  }
0x95: {  	[sflag:s29] =	ssyncset.done $0x0  }
0x96: {  	[sflag:s29] =	ssyncadd.s32 $0xFFFFF300  }
0x97: {  	_ =	swait.ge [sflag:s29], $0xD00  }
0x98: {  	[sflag:s29] =	ssyncset.done $0x0  }
0x99: {  	[sflag:s29] =	ssyncadd.s32 $0xFFFFF300  }
0x9a: {  	_ =	swait.ge [sflag:s29], $0xD00  }
0x9b: {  	[sflag:s29] =	ssyncset.done $0x0  }
0x9c: {  	[sflag:s29] =	ssyncadd.s32 $0xFFFFF300  }
0x9d: {  	_ =	swait.ge [sflag:s29], $0xD00  }
0x9e: {  	[sflag:s29] =	ssyncset.done $0x0  }
0x9f: {  	s26 =	sadd.s32 $0xFFFFFEC8, s22;
	[sflag:s29] =	ssyncadd.s32 $0xFFFFF300  }
0xa0: {  	[tilespmem:s24], [sflag:$0x1] =	stream.indirect.gather [hbm4b:s1+s23], $0x80, s26, s23, $0xb8;
	[tilespmem:$0xDD00] =	vst v63  }
0xa1: {  	_ =	swait.ge [sflag:s4], $0x3400  }
0xa2: {  	s2 =	rddreg [dreg:$0x7];
	[sflag:s4] =	ssyncset.done $0x0  }
0xa3: {  	[sflag:s4] =	ssyncadd.s32 $0xFFFFCC00;
	s0 =	sadd.s32 s19, s2  }
0xa4: {  	[hbm4b:s0+s3] =	stream.linear.scatter [tilespmem:s25], [sflag:$0x6], $0xD00, $0x38;
	[tilespmem:$0xDD00] =	vst v63  }
0xa5: {  	s26 =	sadd.s32 $0x200, s0  }
0xa6: {  	[hbm4b:s26+s3] =	stream.linear.scatter [tilespmem:s5], [sflag:$0x6], $0xD00, $0x38;
	[tilespmem:$0xDD00] =	vst v63  }
0xa7: {  	s26 =	sadd.s32 $0x400, s0  }
0xa8: {  	[hbm4b:s26+s3] =	stream.linear.scatter [tilespmem:s6], [sflag:$0x6], $0xD00, $0x38;
	[tilespmem:$0xDD00] =	vst v63  }
0xa9: {  	s0 =	sadd.s32 $0x600, s0  }
0xaa: {  	[hbm4b:s0+s3] =	stream.linear.scatter [tilespmem:s7], [sflag:$0x6], $0xD00, $0x38;
	[tilespmem:$0xDD00] =	vst v63  }
0xab: {  	_ =	swait.ge [sflag:s8], $0xD00  }
0xac: {  	[sflag:s8] =	ssyncset.done $0x0  }
0xad: {  	[sflag:s8] =	ssyncadd.s32 $0xFFFFF300  }
0xae: {  	_ =	swait.ge [sflag:s8], $0xD00  }
0xaf: {  	[sflag:s8] =	ssyncset.done $0x0  }
0xb0: {  	[sflag:s8] =	ssyncadd.s32 $0xFFFFF300  }
0xb1: {  	_ =	swait.ge [sflag:s8], $0xD00  }
0xb2: {  	[sflag:s8] =	ssyncset.done $0x0  }
0xb3: {  	[sflag:s8] =	ssyncadd.s32 $0xFFFFF300  }
0xb4: {  	_ =	swait.ge [sflag:s8], $0xD00  }
0xb5: {  	[sflag:s8] =	ssyncset.done $0x0  }
0xb6: {  	s26 =	sadd.s32 $0xFFFFFF30, s22;
	[sflag:s8] =	ssyncadd.s32 $0xFFFFF300  }
0xb7: {  	[tilespmem:s25], [sflag:$0x2] =	stream.indirect.gather [hbm4b:s1+s23], $0x80, s26, s23, $0xb8;
	[tilespmem:$0xDD00] =	vst v63  }
0xb8: {  	_ =	swait.ge [sflag:s9], $0x3400  }
0xb9: {  	s2 =	rddreg [dreg:$0x6];
	[sflag:s9] =	ssyncset.done $0x0  }
0xba: {  	[sflag:s9] =	ssyncadd.s32 $0xFFFFCC00;
	s0 =	sadd.s32 s19, s2  }
0xbb: {  	[hbm4b:s0+s3] =	stream.linear.scatter [tilespmem:s28], [sflag:$0x7], $0xD00, $0x38;
	[tilespmem:$0xDD00] =	vst v63  }
0xbc: {  	s26 =	sadd.s32 $0x200, s0  }
0xbd: {  	[hbm4b:s26+s3] =	stream.linear.scatter [tilespmem:s10], [sflag:$0x7], $0xD00, $0x38;
	[tilespmem:$0xDD00] =	vst v63  }
0xbe: {  	s26 =	sadd.s32 $0x400, s0  }
0xbf: {  	[hbm4b:s26+s3] =	stream.linear.scatter [tilespmem:s11], [sflag:$0x7], $0xD00, $0x38;
	[tilespmem:$0xDD00] =	vst v63  }
0xc0: {  	s0 =	sadd.s32 $0x600, s0  }
0xc1: {  	[hbm4b:s0+s3] =	stream.linear.scatter [tilespmem:s12], [sflag:$0x7], $0xD00, $0x38;
	[tilespmem:$0xDD00] =	vst v63  }
0xc2: {  	_ =	swait.ge [sflag:s13], $0xD00  }
0xc3: {  	[sflag:s13] =	ssyncset.done $0x0  }
0xc4: {  	[sflag:s13] =	ssyncadd.s32 $0xFFFFF300  }
0xc5: {  	_ =	swait.ge [sflag:s13], $0xD00  }
0xc6: {  	[sflag:s13] =	ssyncset.done $0x0  }
0xc7: {  	[sflag:s13] =	ssyncadd.s32 $0xFFFFF300  }
0xc8: {  	_ =	swait.ge [sflag:s13], $0xD00  }
0xc9: {  	[sflag:s13] =	ssyncset.done $0x0  }
0xca: {  	[sflag:s13] =	ssyncadd.s32 $0xFFFFF300  }
0xcb: {  	_ =	swait.ge [sflag:s13], $0xD00  }
0xcc: {  	[sflag:s13] =	ssyncset.done $0x0  }
0xcd: {  	s26 =	sadd.s32 $0xFFFFFF98, s22;
	[sflag:s13] =	ssyncadd.s32 $0xFFFFF300  }
0xce: {  	[tilespmem:s28], [sflag:$0x3] =	stream.indirect.gather [hbm4b:s1+s23], $0x80, s26, s23, $0xb8;
	[tilespmem:$0xDD00] =	vst v63  }
0xcf: {  	_ =	swait.ge [sflag:s14], $0x3400  }
0xd0: {  	s2 =	rddreg [dreg:$0x5];
	[sflag:s14] =	ssyncset.done $0x0  }
0xd1: {  	[sflag:s14] =	ssyncadd.s32 $0xFFFFCC00;
	s0 =	sadd.s32 s19, s2  }
0xd2: {  	[hbm4b:s0+s3] =	stream.linear.scatter [tilespmem:s30], [sflag:$0x8], $0xD00, $0x38;
	[tilespmem:$0xDD00] =	vst v63  }
0xd3: {  	s19 =	sadd.s32 $0x200, s0  }
0xd4: {  	[hbm4b:s19+s3] =	stream.linear.scatter [tilespmem:s15], [sflag:$0x8], $0xD00, $0x38;
	[tilespmem:$0xDD00] =	vst v63  }
0xd5: {  	s26 =	sadd.s32 $0x400, s0  }
0xd6: {  	[hbm4b:s26+s3] =	stream.linear.scatter [tilespmem:s16], [sflag:$0x8], $0xD00, $0x38;
	[tilespmem:$0xDD00] =	vst v63  }
0xd7: {  	s0 =	sadd.s32 $0x600, s0  }
0xd8: {  	[hbm4b:s0+s3] =	stream.linear.scatter [tilespmem:s17], [sflag:$0x8], $0xD00, $0x38;
	[tilespmem:$0xDD00] =	vst v63  }
0xd9: {  	_ =	swait.ge [sflag:s18], $0xD00  }
0xda: {  	[sflag:s18] =	ssyncset.done $0x0  }
0xdb: {  	[sflag:s18] =	ssyncadd.s32 $0xFFFFF300  }
0xdc: {  	_ =	swait.ge [sflag:s18], $0xD00  }
0xdd: {  	[sflag:s18] =	ssyncset.done $0x0  }
0xde: {  	[sflag:s18] =	ssyncadd.s32 $0xFFFFF300  }
0xdf: {  	p0 =	sne.s32 s21, $0xC000;
	_ =	swait.ge [sflag:s18], $0xD00  }
.Ltmp0:
0xe0: {  	[sflag:s18] =	ssyncset.done $0x0;
	(pc) =	sbr.rel @p0 .LBB2_2-.Ltmp0, $4  }
0xe1: {  	[sflag:s18] =	ssyncadd.s32 $0xFFFFF300  }
0xe2: {  	_ =	swait.ge [sflag:s18], $0xD00  }
0xe3: {  	s20 =	smov.u32 s22;
	[sflag:s18] =	ssyncset.done $0x0  }
0xe4: {  	s21 =	sadd.s32 $0x2000, s21;
	s22 =	sadd.s32 $0x1A0, s22;
	[sflag:s18] =	ssyncadd.s32 $0xFFFFF300  }
0xe5: {  	[tilespmem:s30], [sflag:$0x4] =	stream.indirect.gather [hbm4b:s1+s23], $0x80, s20, s23, $0xb8;
	[tilespmem:$0xDD00] =	vst v63  }
0xe6: {  	_ =	swait.ge [sflag:s31], $0x3400  }
0xe7: {  	[sflag:s31] =	ssyncset.done $0x0  }
0xe8: {  	s0 =	rddreg [dreg:$0x9];
	[sflag:s31] =	ssyncadd.s32 $0xFFFFCC00  }
0xe9: {  	[hbm4b:s0+s3] =	stream.linear.scatter [tilespmem:s24], [sflag:$0x5], $0xD00, $0x38;
	[tilespmem:$0xDD00] =	vst v63  }
0xea: {  	s2 =	simm.s32 $0x1A00;
	s26 =	rddreg [dreg:$0xa]  }
0xeb: {  	[hbm4b:s26+s3] =	stream.linear.scatter [tilespmem:s2], [sflag:$0x5], $0xD00, $0x38;
	[tilespmem:$0xDD00] =	vst v63  }
0xec: {  	s19 =	simm.s32 $0x2700;
	s2 =	rddreg [dreg:$0xb]  }
0xed: {  	[hbm4b:s2+s3] =	stream.linear.scatter [tilespmem:s19], [sflag:$0x5], $0xD00, $0x38;
	[tilespmem:$0xDD00] =	vst v63  }
0xee: {  	s21 =	simm.s32 $0x3400;
	s20 =	rddreg [dreg:$0xc]  }
0xef: {  	[hbm4b:s20+s3] =	stream.linear.scatter [tilespmem:s21], [sflag:$0x5], $0xD00, $0x38;
	[tilespmem:$0xDD00] =	vst v63  }
0xf0: {  	_ =	swait.ge [sflag:s4], $0x3400  }
0xf1: {  	[sflag:s4] =	ssyncset.done $0x0  }
0xf2: {  	s22 =	rddreg [dreg:$0xd];
	[sflag:s4] =	ssyncadd.s32 $0xFFFFCC00  }
0xf3: {  	[hbm4b:s22+s3] =	stream.linear.scatter [tilespmem:s25], [sflag:$0x6], $0xD00, $0x38;
	[tilespmem:$0xDD00] =	vst v63  }
0xf4: {  	s26 =	rddreg [dreg:$0xe]  }
0xf5: {  	[hbm4b:s26+s3] =	stream.linear.scatter [tilespmem:s5], [sflag:$0x6], $0xD00, $0x38;
	[tilespmem:$0xDD00] =	vst v63  }
0xf6: {  	s2 =	rddreg [dreg:$0xf]  }
0xf7: {  	[hbm4b:s2+s3] =	stream.linear.scatter [tilespmem:s6], [sflag:$0x6], $0xD00, $0x38;
	[tilespmem:$0xDD00] =	vst v63  }
0xf8: {  	s19 =	rddreg [dreg:$0x10]  }
0xf9: {  	[hbm4b:s19+s3] =	stream.linear.scatter [tilespmem:s7], [sflag:$0x6], $0xD00, $0x38;
	[tilespmem:$0xDD00] =	vst v63  }
0xfa: {  	_ =	swait.ge [sflag:s9], $0x3400  }
0xfb: {  	[sflag:s9] =	ssyncset.done $0x0  }
0xfc: {  	s20 =	rddreg [dreg:$0x11];
	[sflag:s9] =	ssyncadd.s32 $0xFFFFCC00  }
0xfd: {  	[hbm4b:s20+s3] =	stream.linear.scatter [tilespmem:s28], [sflag:$0x7], $0xD00, $0x38;
	[tilespmem:$0xDD00] =	vst v63  }
0xfe: {  	s21 =	rddreg [dreg:$0x12]  }
0xff: {  	[hbm4b:s21+s3] =	stream.linear.scatter [tilespmem:s10], [sflag:$0x7], $0xD00, $0x38;
	[tilespmem:$0xDD00] =	vst v63  }
0x100: {  	s22 =	rddreg [dreg:$0x13]  }
0x101: {  	[hbm4b:s22+s3] =	stream.linear.scatter [tilespmem:s11], [sflag:$0x7], $0xD00, $0x38;
	[tilespmem:$0xDD00] =	vst v63  }
0x102: {  	s26 =	rddreg [dreg:$0x14]  }
0x103: {  	[hbm4b:s26+s3] =	stream.linear.scatter [tilespmem:s12], [sflag:$0x7], $0xD00, $0x38;
	[tilespmem:$0xDD00] =	vst v63  }
0x104: {  	_ =	swait.ge [sflag:s14], $0x3400  }
0x105: {  	[sflag:s14] =	ssyncset.done $0x0  }
0x106: {  	s2 =	rddreg [dreg:$0x15];
	[sflag:s14] =	ssyncadd.s32 $0xFFFFCC00  }
0x107: {  	[hbm4b:s2+s3] =	stream.linear.scatter [tilespmem:s30], [sflag:$0x8], $0xD00, $0x38;
	[tilespmem:$0xDD00] =	vst v63  }
0x108: {  	s19 =	rddreg [dreg:$0x16]  }
0x109: {  	[hbm4b:s19+s3] =	stream.linear.scatter [tilespmem:s15], [sflag:$0x8], $0xD00, $0x38;
	[tilespmem:$0xDD00] =	vst v63  }
0x10a: {  	s20 =	rddreg [dreg:$0x17]  }
0x10b: {  	[hbm4b:s20+s3] =	stream.linear.scatter [tilespmem:s16], [sflag:$0x8], $0xD00, $0x38;
	[tilespmem:$0xDD00] =	vst v63  }
0x10c: {  	s21 =	rddreg [dreg:$0x18]  }
0x10d: {  	[hbm4b:s21+s3] =	stream.linear.scatter [tilespmem:s17], [sflag:$0x8], $0xD00, $0x38;
	[tilespmem:$0xDD00] =	vst v63  }
0x10e: {  	_ =	swait.ge [sflag:s29], $0xD00  }
0x10f: {  	[sflag:s29] =	ssyncset.done $0x0  }
0x110: {  	[sflag:s29] =	ssyncadd.s32 $0xFFFFF300  }
0x111: {  	_ =	swait.ge [sflag:s29], $0xD00  }
0x112: {  	[sflag:s29] =	ssyncset.done $0x0  }
0x113: {  	[sflag:s29] =	ssyncadd.s32 $0xFFFFF300  }
0x114: {  	_ =	swait.ge [sflag:s29], $0xD00  }
0x115: {  	[sflag:s29] =	ssyncset.done $0x0  }
0x116: {  	[sflag:s29] =	ssyncadd.s32 $0xFFFFF300  }
0x117: {  	_ =	swait.ge [sflag:s29], $0xD00  }
0x118: {  	[sflag:s29] =	ssyncset.done $0x0  }
0x119: {  	[sflag:s29] =	ssyncadd.s32 $0xFFFFF300  }
0x11a: {  	_ =	swait.ge [sflag:s8], $0xD00  }
0x11b: {  	[sflag:s8] =	ssyncset.done $0x0  }
0x11c: {  	[sflag:s8] =	ssyncadd.s32 $0xFFFFF300  }
0x11d: {  	_ =	swait.ge [sflag:s8], $0xD00  }
0x11e: {  	[sflag:s8] =	ssyncset.done $0x0  }
0x11f: {  	[sflag:s8] =	ssyncadd.s32 $0xFFFFF300  }
0x120: {  	_ =	swait.ge [sflag:s8], $0xD00  }
0x121: {  	[sflag:s8] =	ssyncset.done $0x0  }
0x122: {  	[sflag:s8] =	ssyncadd.s32 $0xFFFFF300  }
0x123: {  	_ =	swait.ge [sflag:s8], $0xD00  }
0x124: {  	[sflag:s8] =	ssyncset.done $0x0  }
0x125: {  	[sflag:s8] =	ssyncadd.s32 $0xFFFFF300  }
0x126: {  	_ =	swait.ge [sflag:s13], $0xD00  }
0x127: {  	[sflag:s13] =	ssyncset.done $0x0  }
0x128: {  	[sflag:s13] =	ssyncadd.s32 $0xFFFFF300  }
0x129: {  	_ =	swait.ge [sflag:s13], $0xD00  }
0x12a: {  	[sflag:s13] =	ssyncset.done $0x0  }
0x12b: {  	[sflag:s13] =	ssyncadd.s32 $0xFFFFF300  }
0x12c: {  	_ =	swait.ge [sflag:s13], $0xD00  }
0x12d: {  	[sflag:s13] =	ssyncset.done $0x0  }
0x12e: {  	[sflag:s13] =	ssyncadd.s32 $0xFFFFF300  }
0x12f: {  	_ =	swait.ge [sflag:s13], $0xD00  }
0x130: {  	[sflag:s13] =	ssyncset.done $0x0  }
0x131: {  	[sflag:s13] =	ssyncadd.s32 $0xFFFFF300  }
0x132: {  	_ =	swait.ge [sflag:s18], $0xD00  }
0x133: {  	[sflag:s18] =	ssyncset.done $0x0  }
0x134: {  	[sflag:s18] =	ssyncadd.s32 $0xFFFFF300  }
0x135: {  	_ =	swait.ge [sflag:s18], $0xD00  }
0x136: {  	[sflag:s18] =	ssyncset.done $0x0  }
0x137: {  	[sflag:s18] =	ssyncadd.s32 $0xFFFFF300  }
0x138: {  	_ =	swait.ge [sflag:s18], $0xD00  }
0x139: {  	[sflag:s18] =	ssyncset.done $0x0  }
0x13a: {  	[sflag:s18] =	ssyncadd.s32 $0xFFFFF300  }
0x13b: {  	_ =	swait.ge [sflag:s18], $0xD00  }
0x13c: {  	s22 =	rddreg [dreg:$0x1a]  }
0x13d: {  	s26 =	rddreg [dreg:$0x19];
	s2 =	sadd.s32 $0x1, s22  }
0x13e: {  	p0 =	sne.s32 s2, s26  }
.Ltmp1:
0x13f: {  	_ = 	snop;
	(pc) =	sbr.rel @p0 .LBB2_1-.Ltmp1, $3  }
0x140: {  	_ =	sdelay $0x1  }
0x141: {  	[sflag:s18] =	ssyncset.done $0x0  }
0x142: {  	[sflag:s18] =	ssyncadd.s32 $0xFFFFF300  }
0x143: {  	_ =	sfence.sel $0x180000  }
0x144: {  	[bflag:$0x0] =	sbarrier.arrive $0xFFFF  }
0x145: {  	_ =	strace $0x90000047  }
0x146: {  	s0 =	stileid.u32;
	[bflag:$0x2] =	sbarrier.arrive $0xFFFF  }
0x147: {  	p0 =	sne.s32 s0, $0x0;
	s0 =	rddreg [dreg:$0x3]  }
0x148: {  	s0 =	sadd.s32 @!p0 $0x100000, s0  }
0x149: {  	[sflag:s0] =	ssyncadd.tile.s32 @!p0 $0x1;
	_ =	shalt  }
.Lfunc_end2:
_tile_overlayer_lowered:
.L_overlay_start_2:
0x14a: {  	(tag) =	ssettag $0x2  }
0x14b: {  	s0 =	rddreg [dreg:$0x0];
	s2 =	stileid.u32  }
0x14c: {  	s1 =	rddreg [dreg:$0x1];
	p0 =	sne.s32 s2, $0x0  }
0x14d: {  	s3 =	rddreg [dreg:$0x2];
	[bflag:$0x3] =	sbarrier.arrive $0xFFFF;
	s2 =	simm.s32 @!p0 $0x1C09  }
0x14e: {  	[timem:s3], [sflag:s2] =	dma.local @!p0 [hbm:s0], s1  }
0x14f: {  	s0 =	simm.s32 @!p0 $0x9  }
0x150: {  	_ =	swait.ge @!p0 [sflag:s0], s1  }
0x151: {  	s1 =	ssub.s32 @!p0 $0x0, s1;
	[sflag:s0] =	ssyncset.done @!p0 $0x0  }
0x152: {  	[sflag:s0] =	ssyncadd.s32 @!p0 s1  }
0x153: {  	[bflag:$0x3] =	sbarrier.arrive $0xFFFF  }
0x154: {  	_ =	shalt  }

</sc_bundles>
